<compile_context>
chip_gen: v7x
topology: tpu7x:2x2x1
jax: 0.10.2.dev20260603
libtpu: 0.0.44.dev20260713+nightly
codegen_flags: <defaults>
</compile_context>

<pallas_src>
import functools

import jax
import jax.numpy as jnp
from jax import lax
from jax.experimental import pallas as pl
from jax.experimental.pallas import tpu as pltpu
from jax.experimental.pallas import tpu_sc as plsc

_B = 16384
_E = 16
_F = 128 // _E


_K = 8


@jax.jit
def _sc_gather3(cat_idx, store_idx, pa_idx, cat_t, store_t, pa_t):
    info = plsc.get_sparse_core_info()
    nc, ns = info.num_cores, info.num_subcores
    nw = nc * ns
    bpw = _B // nw
    ck = bpw // _K

    mesh = plsc.VectorSubcoreMesh(core_axis_name="c", subcore_axis_name="s")

    @functools.partial(
        pl.kernel,
        mesh=mesh,
        out_type=[jax.ShapeDtypeStruct((_B, 128), jnp.float32)] * 3,
        compiler_params=pltpu.CompilerParams(use_tc_tiling_on_sc=False),
        scratch_types=[
            pltpu.VMEM((bpw,), jnp.int32),
            pltpu.VMEM((bpw, 128), jnp.float32),
            pltpu.SemaphoreType.DMA,
        ],
    )
    def gather_kernel(cat_i, store_i, pa_i, cat_tbl, store_tbl, pa_tbl,
                      cat_o, store_o, pa_o, idx_v, rows_v, sem):
        wid = lax.axis_index("s") * nc + lax.axis_index("c")
        base = wid * bpw
        tbls = ((cat_i, cat_tbl, cat_o), (store_i, store_tbl, store_o),
                (pa_i, pa_tbl, pa_o))
        for i_hbm, t_hbm, o_hbm in tbls:
            pltpu.sync_copy(i_hbm.at[pl.ds(base, bpw)], idx_v)
            for g in range(bpw // 16):
                sl = pl.ds(g * 16, 16)
                idx_v[sl] = idx_v[sl] >> 3
            copies = []
            for j in range(_K):
                sl = pl.ds(j * ck, ck)
                copies.append(
                    pltpu.async_copy(t_hbm.at[idx_v.at[sl]], rows_v.at[sl],
                                     sem))
            for c in copies:
                c.wait()
            pltpu.sync_copy(rows_v, o_hbm.at[pl.ds(base, bpw)])

    return gather_kernel(cat_idx, store_idx, pa_idx, cat_t, store_t, pa_t)


def _dense_body(ci_ref, si_ref, pi_ref, cat_g, store_g, pa_g, num_ref,
                title_ref, wn_ref, bn_ref, wt_ref, bt_ref,
                wc_ref, ws_ref, wp_ref, wo_ref, bo_ref, out_ref):
    shape = cat_g.shape
    lane_grp = lax.broadcasted_iota(jnp.int32, shape, 1) >> 4
    f32 = jnp.float32

    def pick(idx_ref, g_ref, w_ref):
        mask = lane_grp == (idx_ref[...] & (_F - 1))
        g = jnp.where(mask, g_ref[...], 0.0)
        return jnp.dot(g, w_ref[...], preferred_element_type=f32)

    acc = pick(ci_ref, cat_g, wc_ref)
    acc += pick(si_ref, store_g, ws_ref)
    acc += pick(pi_ref, pa_g, wp_ref)
    wo = wo_ref[...]
    nf = jnp.dot(num_ref[...], wn_ref[...], preferred_element_type=f32)
    nf += bn_ref[...]
    acc += jnp.dot(nf, wo[48:64, :], preferred_element_type=f32)
    te = jnp.dot(title_ref[...], wt_ref[...], preferred_element_type=f32)
    te += bt_ref[...]
    acc += jnp.dot(te, wo[64:128, :], preferred_element_type=f32)
    out_ref[...] = acc + bo_ref[...]


@jax.jit
def _tc_dense(ci, si, pi, cat_g, store_g, pa_g, num_pad, title,
              WnT, bn2, WtT, bt2, WC, WS, WP, WoT, bo2):
    R = 2048
    grid = (_B // R,)
    row_blk = lambda i: (i, 0)
    full = lambda i: (0, 0)
    return pl.pallas_call(
        _dense_body,
        grid=grid,
        in_specs=[
            pl.BlockSpec((R, 1), row_blk),
            pl.BlockSpec((R, 1), row_blk),
            pl.BlockSpec((R, 1), row_blk),
            pl.BlockSpec((R, 128), row_blk),
            pl.BlockSpec((R, 128), row_blk),
            pl.BlockSpec((R, 128), row_blk),
            pl.BlockSpec((R, 8), row_blk),
            pl.BlockSpec((R, 384), row_blk),
            pl.BlockSpec((8, 16), full),
            pl.BlockSpec((1, 16), full),
            pl.BlockSpec((384, 64), full),
            pl.BlockSpec((1, 64), full),
            pl.BlockSpec((128, 128), full),
            pl.BlockSpec((128, 128), full),
            pl.BlockSpec((128, 128), full),
            pl.BlockSpec((128, 128), full),
            pl.BlockSpec((1, 128), full),
        ],
        out_specs=pl.BlockSpec((R, 128), row_blk),
        out_shape=jax.ShapeDtypeStruct((_B, 128), jnp.float32),
        compiler_params=pltpu.CompilerParams(
            dimension_semantics=("arbitrary",),
        ),
    )(ci, si, pi, cat_g, store_g, pa_g, num_pad, title,
      WnT, bn2, WtT, bt2, WC, WS, WP, WoT, bo2)


def kernel(category, store, parent_asin, numeric_features, title_embedding,
           cat_table, store_table, pa_table, Wn, bn, Wt, bt, Wo, bo):
    ci = category.astype(jnp.int32)
    si = store.astype(jnp.int32)
    pi = parent_asin.astype(jnp.int32)
    cat_g, store_g, pa_g = _sc_gather3(
        ci, si, pi,
        cat_table.reshape(-1, 128), store_table.reshape(-1, 128),
        pa_table.reshape(-1, 128))
    num_pad = jnp.pad(numeric_features, ((0, 0), (0, 5)))
    WnT = jnp.pad(Wn.T, ((0, 5), (0, 0)))
    WoT = Wo.T
    WC = jnp.tile(WoT[0:16], (_F, 1))
    WS = jnp.tile(WoT[16:32], (_F, 1))
    WP = jnp.tile(WoT[32:48], (_F, 1))
    return _tc_dense(
        ci.reshape(-1, 1), si.reshape(-1, 1), pi.reshape(-1, 1),
        cat_g, store_g, pa_g, num_pad, title_embedding,
        WnT, bn.reshape(1, 16), Wt.T, bt.reshape(1, 64),
        WC, WS, WP, WoT, bo.reshape(1, 128))

# --- scband reference (transcript-rebuilt; emitter-appended) ---
"""Pipeline reference for scband-item-encoder-33956011442788 (READ-ONLY COPY).

The authoritative reference and input builder live on the scoring server;
editing this copy changes nothing except your own understanding.
"""

import jax, jax.numpy as jnp
import numpy as np

B = 16384
NUM_CATEGORIES = 1000
NUM_STORES = 100000
NUM_PARENT_ASIN = 1000000


def setup_inputs(seed: int = 0) -> dict:
    key = jax.random.key(seed)
    ks = jax.random.split(key, 14)
    category = jax.random.randint(ks[0], (B,), 0, NUM_CATEGORIES, dtype=jnp.int64 if jax.config.jax_enable_x64 else jnp.int32)
    store = jax.random.randint(ks[1], (B,), 0, NUM_STORES, dtype=jnp.int64 if jax.config.jax_enable_x64 else jnp.int32)
    parent_asin = jax.random.randint(ks[2], (B,), 0, NUM_PARENT_ASIN, dtype=jnp.int64 if jax.config.jax_enable_x64 else jnp.int32)
    numeric_features = jax.random.normal(ks[3], (B, 3), dtype=jnp.float32)
    title_embedding = jax.random.normal(ks[4], (B, 384), dtype=jnp.float32)
    cat_table = jax.random.normal(ks[5], (NUM_CATEGORIES, 16), dtype=jnp.float32) * 0.02
    store_table = jax.random.normal(ks[6], (NUM_STORES, 16), dtype=jnp.float32) * 0.02
    pa_table = jax.random.normal(ks[7], (NUM_PARENT_ASIN, 16), dtype=jnp.float32) * 0.02
    Wn = jax.random.normal(ks[8], (16, 3), dtype=jnp.float32) * 0.1
    bn = jnp.zeros((16,), dtype=jnp.float32)
    Wt = jax.random.normal(ks[9], (64, 384), dtype=jnp.float32) * 0.05
    bt = jnp.zeros((64,), dtype=jnp.float32)
    Wo = jax.random.normal(ks[10], (128, 128), dtype=jnp.float32) * 0.05
    bo = jnp.zeros((128,), dtype=jnp.float32)
    return {
        "category": category, "store": store, "parent_asin": parent_asin,
        "numeric_features": numeric_features, "title_embedding": title_embedding,
        "cat_table": cat_table, "store_table": store_table, "pa_table": pa_table,
        "Wn": Wn, "bn": bn, "Wt": Wt, "bt": bt, "Wo": Wo, "bo": bo,
    }


def reference(category, store, parent_asin, numeric_features, title_embedding,
              cat_table, store_table, pa_table, Wn, bn, Wt, bt, Wo, bo):
    cat_emb = jnp.take(cat_table, category, axis=0)
    store_emb = jnp.take(store_table, store, axis=0)
    pa_emb = jnp.take(pa_table, parent_asin, axis=0)
    num_feat = numeric_features @ Wn.T + bn
    title_emb = title_embedding @ Wt.T + bt
    x = jnp.concatenate([cat_emb, store_emb, pa_emb, num_feat, title_emb], axis=-1)
    return x @ Wo.T + bo

if __name__ == "__main__":
    import jax
    _d = setup_inputs()
    print(jax.jit(kernel)(*tuple(_d.values())))

</pallas_src>

<mosaic_0001>
#map = affine_map<(d0, d1) -> (0)>
#map1 = affine_map<(d0, d1) -> (0, 0)>
module attributes {stable_mosaic.version = 14 : i64} {
  func.func @gather_kernel(%arg0: i32, %arg1: i32, %arg2: memref<16384xi32, #tpu.memory_space<hbm>>, %arg3: memref<16384xi32, #tpu.memory_space<hbm>>, %arg4: memref<16384xi32, #tpu.memory_space<hbm>>, %arg5: memref<125x128xf32, #tpu.memory_space<hbm>>, %arg6: memref<12500x128xf32, #tpu.memory_space<hbm>>, %arg7: memref<125000x128xf32, #tpu.memory_space<hbm>>, %arg8: memref<16384x128xf32, #tpu.memory_space<hbm>>, %arg9: memref<16384x128xf32, #tpu.memory_space<hbm>>, %arg10: memref<16384x128xf32, #tpu.memory_space<hbm>>, %arg11: memref<512xi32, #tpu.memory_space<vmem>>, %arg12: memref<512x128xf32, #tpu.memory_space<vmem>>, %arg13: memref<!tpu.dma_semaphore, #tpu.memory_space<semaphore_mem>>) attributes {dimension_semantics = [#tpu.dimension_semantics<core_parallel>, #tpu.dimension_semantics<subcore_parallel>], iteration_bounds = array<i64: 2, 16>, scalar_prefetch = 0 : i64, scratch_operands = 3 : i64, tpu.core_type = #tpu.core_type<sc_vector_subcore>, window_params = [{transform_indices = #map}, {transform_indices = #map}, {transform_indices = #map}, {transform_indices = #map1}, {transform_indices = #map1}, {transform_indices = #map1}, {transform_indices = #map1}, {transform_indices = #map1}, {transform_indices = #map1}]} {
    %mul3A = arith.constant 2 : i32
    %mul3A_0 = arith.muli %arg1, %mul3A : i32
    %add3A = arith.addi %mul3A_0, %arg0 : i32
    %mul3A_1 = arith.constant 512 : i32
    %mul3A_2 = arith.muli %add3A, %mul3A_1 : i32
    "tpu.region"() ({
      %run_scoped3A = tpu.sem_alloc : memref<!tpu.dma_semaphore, #tpu.memory_space<semaphore_mem>>
      %dma_start3A_1342 = tpu.memref_slice %arg2[%mul3A_2] : memref<16384xi32, #tpu.memory_space<hbm>> -> memref<512xi32, #tpu.memory_space<hbm>>
      %dma_start3A_1343 = tpu.memref_slice %arg2[%mul3A_2] : memref<16384xi32, #tpu.memory_space<hbm>> -> memref<512xi32, #tpu.memory_space<hbm>>
      tpu.enqueue_dma source(%dma_start3A_1343 : memref<512xi32, #tpu.memory_space<hbm>>) target(%arg11 : memref<512xi32, #tpu.memory_space<vmem>>) target_semaphore(%run_scoped3A : memref<!tpu.dma_semaphore, #tpu.memory_space<semaphore_mem>>)
      %dma_wait3A_1344 = tpu.memref_slice %arg2[%mul3A_2] : memref<16384xi32, #tpu.memory_space<hbm>> -> memref<512xi32, #tpu.memory_space<hbm>>
      %dma_wait3A_1345 = tpu.memref_slice %arg2[%mul3A_2] : memref<16384xi32, #tpu.memory_space<hbm>> -> memref<512xi32, #tpu.memory_space<hbm>>
      tpu.wait_dma2 semaphore(%run_scoped3A : memref<!tpu.dma_semaphore, #tpu.memory_space<semaphore_mem>>) src(%dma_wait3A_1345 : memref<512xi32, #tpu.memory_space<hbm>>) dst(%arg11 : memref<512xi32, #tpu.memory_space<vmem>>)
      tpu.yield
    }) : () -> ()
    %get3A = arith.constant 0 : index
    %get3A_3 = tpu.vector_load %arg11[%get3A] {strides = array<i32>} : memref<512xi32, #tpu.memory_space<vmem>>, vector<16xi32>,
    %get3A_4 = vector.shape_cast %get3A_3 : vector<16xi32> to vector<16xi32>
    %shift_right_arithmetic3A = arith.constant 3 : i32
    %shift_right_arithmetic3A_5 = vector.broadcast %shift_right_arithmetic3A : i32 to vector<16xi32>
    %shift_right_arithmetic3A_6 = arith.shrsi %get3A_4, %shift_right_arithmetic3A_5 : vector<16xi32>
    %swap3A = arith.constant 0 : index
    %swap3A_7 = tpu.vector_load %arg11[%swap3A] {strides = array<i32>} : memref<512xi32, #tpu.memory_space<vmem>>, vector<16xi32>,
    %swap3A_8 = vector.shape_cast %swap3A_7 : vector<16xi32> to vector<16xi32>
    %swap3A_9 = vector.shape_cast %shift_right_arithmetic3A_6 : vector<16xi32> to vector<16xi32>
    tpu.vector_store %arg11[%swap3A], %swap3A_9 {strides = array<i32>} : memref<512xi32, #tpu.memory_space<vmem>>, vector<16xi32>,
    %get3A_10 = arith.constant 16 : index
    %get3A_11 = tpu.vector_load %arg11[%get3A_10] {strides = array<i32>} : memref<512xi32, #tpu.memory_space<vmem>>, vector<16xi32>,
    %get3A_12 = vector.shape_cast %get3A_11 : vector<16xi32> to vector<16xi32>
    %shift_right_arithmetic3A_13 = arith.constant 3 : i32
    %shift_right_arithmetic3A_14 = vector.broadcast %shift_right_arithmetic3A_13 : i32 to vector<16xi32>
    %shift_right_arithmetic3A_15 = arith.shrsi %get3A_12, %shift_right_arithmetic3A_14 : vector<16xi32>
    %swap3A_16 = arith.constant 16 : index
    %swap3A_17 = tpu.vector_load %arg11[%swap3A_16] {strides = array<i32>} : memref<512xi32, #tpu.memory_space<vmem>>, vector<16xi32>,
    %swap3A_18 = vector.shape_cast %swap3A_17 : vector<16xi32> to vector<16xi32>
    %swap3A_19 = vector.shape_cast %shift_right_arithmetic3A_15 : vector<16xi32> to vector<16xi32>
    tpu.vector_store %arg11[%swap3A_16], %swap3A_19 {strides = array<i32>} : memref<512xi32, #tpu.memory_space<vmem>>, vector<16xi32>,
    %get3A_20 = arith.constant 32 : index
    %get3A_21 = tpu.vector_load %arg11[%get3A_20] {strides = array<i32>} : memref<512xi32, #tpu.memory_space<vmem>>, vector<16xi32>,
    %get3A_22 = vector.shape_cast %get3A_21 : vector<16xi32> to vector<16xi32>
    %shift_right_arithmetic3A_23 = arith.constant 3 : i32
    %shift_right_arithmetic3A_24 = vector.broadcast %shift_right_arithmetic3A_23 : i32 to vector<16xi32>
    %shift_right_arithmetic3A_25 = arith.shrsi %get3A_22, %shift_right_arithmetic3A_24 : vector<16xi32>
    %swap3A_26 = arith.constant 32 : index
    %swap3A_27 = tpu.vector_load %arg11[%swap3A_26] {strides = array<i32>} : memref<512xi32, #tpu.memory_space<vmem>>, vector<16xi32>,
    %swap3A_28 = vector.shape_cast %swap3A_27 : vector<16xi32> to vector<16xi32>
    %swap3A_29 = vector.shape_cast %shift_right_arithmetic3A_25 : vector<16xi32> to vector<16xi32>
    tpu.vector_store %arg11[%swap3A_26], %swap3A_29 {strides = array<i32>} : memref<512xi32, #tpu.memory_space<vmem>>, vector<16xi32>,
    %get3A_30 = arith.constant 48 : index
    %get3A_31 = tpu.vector_load %arg11[%get3A_30] {strides = array<i32>} : memref<512xi32, #tpu.memory_space<vmem>>, vector<16xi32>,
    %get3A_32 = vector.shape_cast %get3A_31 : vector<16xi32> to vector<16xi32>
    %shift_right_arithmetic3A_33 = arith.constant 3 : i32
    %shift_right_arithmetic3A_34 = vector.broadcast %shift_right_arithmetic3A_33 : i32 to vector<16xi32>
    %shift_right_arithmetic3A_35 = arith.shrsi %get3A_32, %shift_right_arithmetic3A_34 : vector<16xi32>
    %swap3A_36 = arith.constant 48 : index
    %swap3A_37 = tpu.vector_load %arg11[%swap3A_36] {strides = array<i32>} : memref<512xi32, #tpu.memory_space<vmem>>, vector<16xi32>,
    %swap3A_38 = vector.shape_cast %swap3A_37 : vector<16xi32> to vector<16xi32>
    %swap3A_39 = vector.shape_cast %shift_right_arithmetic3A_35 : vector<16xi32> to vector<16xi32>
    tpu.vector_store %arg11[%swap3A_36], %swap3A_39 {strides = array<i32>} : memref<512xi32, #tpu.memory_space<vmem>>, vector<16xi32>,
    %get3A_40 = arith.constant 64 : index
    %get3A_41 = tpu.vector_load %arg11[%get3A_40] {strides = array<i32>} : memref<512xi32, #tpu.memory_space<vmem>>, vector<16xi32>,
    %get3A_42 = vector.shape_cast %get3A_41 : vector<16xi32> to vector<16xi32>
    %shift_right_arithmetic3A_43 = arith.constant 3 : i32
    %shift_right_arithmetic3A_44 = vector.broadcast %shift_right_arithmetic3A_43 : i32 to vector<16xi32>
    %shift_right_arithmetic3A_45 = arith.shrsi %get3A_42, %shift_right_arithmetic3A_44 : vector<16xi32>
    %swap3A_46 = arith.constant 64 : index
    %swap3A_47 = tpu.vector_load %arg11[%swap3A_46] {strides = array<i32>} : memref<512xi32, #tpu.memory_space<vmem>>, vector<16xi32>,
    %swap3A_48 = vector.shape_cast %swap3A_47 : vector<16xi32> to vector<16xi32>
    %swap3A_49 = vector.shape_cast %shift_right_arithmetic3A_45 : vector<16xi32> to vector<16xi32>
    tpu.vector_store %arg11[%swap3A_46], %swap3A_49 {strides = array<i32>} : memref<512xi32, #tpu.memory_space<vmem>>, vector<16xi32>,
    %get3A_50 = arith.constant 80 : index
    %get3A_51 = tpu.vector_load %arg11[%get3A_50] {strides = array<i32>} : memref<512xi32, #tpu.memory_space<vmem>>, vector<16xi32>,
    %get3A_52 = vector.shape_cast %get3A_51 : vector<16xi32> to vector<16xi32>
    %shift_right_arithmetic3A_53 = arith.constant 3 : i32
    %shift_right_arithmetic3A_54 = vector.broadcast %shift_right_arithmetic3A_53 : i32 to vector<16xi32>
    %shift_right_arithmetic3A_55 = arith.shrsi %get3A_52, %shift_right_arithmetic3A_54 : vector<16xi32>
    %swap3A_56 = arith.constant 80 : index
    %swap3A_57 = tpu.vector_load %arg11[%swap3A_56] {strides = array<i32>} : memref<512xi32, #tpu.memory_space<vmem>>, vector<16xi32>,
    %swap3A_58 = vector.shape_cast %swap3A_57 : vector<16xi32> to vector<16xi32>
    %swap3A_59 = vector.shape_cast %shift_right_arithmetic3A_55 : vector<16xi32> to vector<16xi32>
    tpu.vector_store %arg11[%swap3A_56], %swap3A_59 {strides = array<i32>} : memref<512xi32, #tpu.memory_space<vmem>>, vector<16xi32>,
    %get3A_60 = arith.constant 96 : index
    %get3A_61 = tpu.vector_load %arg11[%get3A_60] {strides = array<i32>} : memref<512xi32, #tpu.memory_space<vmem>>, vector<16xi32>,
    %get3A_62 = vector.shape_cast %get3A_61 : vector<16xi32> to vector<16xi32>
    %shift_right_arithmetic3A_63 = arith.constant 3 : i32
    %shift_right_arithmetic3A_64 = vector.broadcast %shift_right_arithmetic3A_63 : i32 to vector<16xi32>
    %shift_right_arithmetic3A_65 = arith.shrsi %get3A_62, %shift_right_arithmetic3A_64 : vector<16xi32>
    %swap3A_66 = arith.constant 96 : index
    %swap3A_67 = tpu.vector_load %arg11[%swap3A_66] {strides = array<i32>} : memref<512xi32, #tpu.memory_space<vmem>>, vector<16xi32>,
    %swap3A_68 = vector.shape_cast %swap3A_67 : vector<16xi32> to vector<16xi32>
    %swap3A_69 = vector.shape_cast %shift_right_arithmetic3A_65 : vector<16xi32> to vector<16xi32>
    tpu.vector_store %arg11[%swap3A_66], %swap3A_69 {strides = array<i32>} : memref<512xi32, #tpu.memory_space<vmem>>, vector<16xi32>,
    %get3A_70 = arith.constant 112 : index
    %get3A_71 = tpu.vector_load %arg11[%get3A_70] {strides = array<i32>} : memref<512xi32, #tpu.memory_space<vmem>>, vector<16xi32>,
    %get3A_72 = vector.shape_cast %get3A_71 : vector<16xi32> to vector<16xi32>
    %shift_right_arithmetic3A_73 = arith.constant 3 : i32
    %shift_right_arithmetic3A_74 = vector.broadcast %shift_right_arithmetic3A_73 : i32 to vector<16xi32>
    %shift_right_arithmetic3A_75 = arith.shrsi %get3A_72, %shift_right_arithmetic3A_74 : vector<16xi32>
    %swap3A_76 = arith.constant 112 : index
    %swap3A_77 = tpu.vector_load %arg11[%swap3A_76] {strides = array<i32>} : memref<512xi32, #tpu.memory_space<vmem>>, vector<16xi32>,
    %swap3A_78 = vector.shape_cast %swap3A_77 : vector<16xi32> to vector<16xi32>
    %swap3A_79 = vector.shape_cast %shift_right_arithmetic3A_75 : vector<16xi32> to vector<16xi32>
    tpu.vector_store %arg11[%swap3A_76], %swap3A_79 {strides = array<i32>} : memref<512xi32, #tpu.memory_space<vmem>>, vector<16xi32>,
    %get3A_80 = arith.constant 128 : index
    %get3A_81 = tpu.vector_load %arg11[%get3A_80] {strides = array<i32>} : memref<512xi32, #tpu.memory_space<vmem>>, vector<16xi32>,
    %get3A_82 = vector.shape_cast %get3A_81 : vector<16xi32> to vector<16xi32>
    %shift_right_arithmetic3A_83 = arith.constant 3 : i32
    %shift_right_arithmetic3A_84 = vector.broadcast %shift_right_arithmetic3A_83 : i32 to vector<16xi32>
    %shift_right_arithmetic3A_85 = arith.shrsi %get3A_82, %shift_right_arithmetic3A_84 : vector<16xi32>
    %swap3A_86 = arith.constant 128 : index
    %swap3A_87 = tpu.vector_load %arg11[%swap3A_86] {strides = array<i32>} : memref<512xi32, #tpu.memory_space<vmem>>, vector<16xi32>,
    %swap3A_88 = vector.shape_cast %swap3A_87 : vector<16xi32> to vector<16xi32>
    %swap3A_89 = vector.shape_cast %shift_right_arithmetic3A_85 : vector<16xi32> to vector<16xi32>
    tpu.vector_store %arg11[%swap3A_86], %swap3A_89 {strides = array<i32>} : memref<512xi32, #tpu.memory_space<vmem>>, vector<16xi32>,
    %get3A_90 = arith.constant 144 : index
    %get3A_91 = tpu.vector_load %arg11[%get3A_90] {strides = array<i32>} : memref<512xi32, #tpu.memory_space<vmem>>, vector<16xi32>,
    %get3A_92 = vector.shape_cast %get3A_91 : vector<16xi32> to vector<16xi32>
    %shift_right_arithmetic3A_93 = arith.constant 3 : i32
    %shift_right_arithmetic3A_94 = vector.broadcast %shift_right_arithmetic3A_93 : i32 to vector<16xi32>
    %shift_right_arithmetic3A_95 = arith.shrsi %get3A_92, %shift_right_arithmetic3A_94 : vector<16xi32>
    %swap3A_96 = arith.constant 144 : index
    %swap3A_97 = tpu.vector_load %arg11[%swap3A_96] {strides = array<i32>} : memref<512xi32, #tpu.memory_space<vmem>>, vector<16xi32>,
    %swap3A_98 = vector.shape_cast %swap3A_97 : vector<16xi32> to vector<16xi32>
    %swap3A_99 = vector.shape_cast %shift_right_arithmetic3A_95 : vector<16xi32> to vector<16xi32>
    tpu.vector_store %arg11[%swap3A_96], %swap3A_99 {strides = array<i32>} : memref<512xi32, #tpu.memory_space<vmem>>, vector<16xi32>,
    %get3A_100 = arith.constant 160 : index
    %get3A_101 = tpu.vector_load %arg11[%get3A_100] {strides = array<i32>} : memref<512xi32, #tpu.memory_space<vmem>>, vector<16xi32>,
    %get3A_102 = vector.shape_cast %get3A_101 : vector<16xi32> to vector<16xi32>
    %shift_right_arithmetic3A_103 = arith.constant 3 : i32
    %shift_right_arithmetic3A_104 = vector.broadcast %shift_right_arithmetic3A_103 : i32 to vector<16xi32>
    %shift_right_arithmetic3A_105 = arith.shrsi %get3A_102, %shift_right_arithmetic3A_104 : vector<16xi32>
    %swap3A_106 = arith.constant 160 : index
    %swap3A_107 = tpu.vector_load %arg11[%swap3A_106] {strides = array<i32>} : memref<512xi32, #tpu.memory_space<vmem>>, vector<16xi32>,
    %swap3A_108 = vector.shape_cast %swap3A_107 : vector<16xi32> to vector<16xi32>
    %swap3A_109 = vector.shape_cast %shift_right_arithmetic3A_105 : vector<16xi32> to vector<16xi32>
    tpu.vector_store %arg11[%swap3A_106], %swap3A_109 {strides = array<i32>} : memref<512xi32, #tpu.memory_space<vmem>>, vector<16xi32>,
    %get3A_110 = arith.constant 176 : index
    %get3A_111 = tpu.vector_load %arg11[%get3A_110] {strides = array<i32>} : memref<512xi32, #tpu.memory_space<vmem>>, vector<16xi32>,
    %get3A_112 = vector.shape_cast %get3A_111 : vector<16xi32> to vector<16xi32>
    %shift_right_arithmetic3A_113 = arith.constant 3 : i32
    %shift_right_arithmetic3A_114 = vector.broadcast %shift_right_arithmetic3A_113 : i32 to vector<16xi32>
    %shift_right_arithmetic3A_115 = arith.shrsi %get3A_112, %shift_right_arithmetic3A_114 : vector<16xi32>
    %swap3A_116 = arith.constant 176 : index
    %swap3A_117 = tpu.vector_load %arg11[%swap3A_116] {strides = array<i32>} : memref<512xi32, #tpu.memory_space<vmem>>, vector<16xi32>,
    %swap3A_118 = vector.shape_cast %swap3A_117 : vector<16xi32> to vector<16xi32>
    %swap3A_119 = vector.shape_cast %shift_right_arithmetic3A_115 : vector<16xi32> to vector<16xi32>
    tpu.vector_store %arg11[%swap3A_116], %swap3A_119 {strides = array<i32>} : memref<512xi32, #tpu.memory_space<vmem>>, vector<16xi32>,
    %get3A_120 = arith.constant 192 : index
    %get3A_121 = tpu.vector_load %arg11[%get3A_120] {strides = array<i32>} : memref<512xi32, #tpu.memory_space<vmem>>, vector<16xi32>,
    %get3A_122 = vector.shape_cast %get3A_121 : vector<16xi32> to vector<16xi32>
    %shift_right_arithmetic3A_123 = arith.constant 3 : i32
    %shift_right_arithmetic3A_124 = vector.broadcast %shift_right_arithmetic3A_123 : i32 to vector<16xi32>
    %shift_right_arithmetic3A_125 = arith.shrsi %get3A_122, %shift_right_arithmetic3A_124 : vector<16xi32>
    %swap3A_126 = arith.constant 192 : index
    %swap3A_127 = tpu.vector_load %arg11[%swap3A_126] {strides = array<i32>} : memref<512xi32, #tpu.memory_space<vmem>>, vector<16xi32>,
    %swap3A_128 = vector.shape_cast %swap3A_127 : vector<16xi32> to vector<16xi32>
    %swap3A_129 = vector.shape_cast %shift_right_arithmetic3A_125 : vector<16xi32> to vector<16xi32>
    tpu.vector_store %arg11[%swap3A_126], %swap3A_129 {strides = array<i32>} : memref<512xi32, #tpu.memory_space<vmem>>, vector<16xi32>,
    %get3A_130 = arith.constant 208 : index
    %get3A_131 = tpu.vector_load %arg11[%get3A_130] {strides = array<i32>} : memref<512xi32, #tpu.memory_space<vmem>>, vector<16xi32>,
    %get3A_132 = vector.shape_cast %get3A_131 : vector<16xi32> to vector<16xi32>
    %shift_right_arithmetic3A_133 = arith.constant 3 : i32
    %shift_right_arithmetic3A_134 = vector.broadcast %shift_right_arithmetic3A_133 : i32 to vector<16xi32>
    %shift_right_arithmetic3A_135 = arith.shrsi %get3A_132, %shift_right_arithmetic3A_134 : vector<16xi32>
    %swap3A_136 = arith.constant 208 : index
    %swap3A_137 = tpu.vector_load %arg11[%swap3A_136] {strides = array<i32>} : memref<512xi32, #tpu.memory_space<vmem>>, vector<16xi32>,
    %swap3A_138 = vector.shape_cast %swap3A_137 : vector<16xi32> to vector<16xi32>
    %swap3A_139 = vector.shape_cast %shift_right_arithmetic3A_135 : vector<16xi32> to vector<16xi32>
    tpu.vector_store %arg11[%swap3A_136], %swap3A_139 {strides = array<i32>} : memref<512xi32, #tpu.memory_space<vmem>>, vector<16xi32>,
    %get3A_140 = arith.constant 224 : index
    %get3A_141 = tpu.vector_load %arg11[%get3A_140] {strides = array<i32>} : memref<512xi32, #tpu.memory_space<vmem>>, vector<16xi32>,
    %get3A_142 = vector.shape_cast %get3A_141 : vector<16xi32> to vector<16xi32>
    %shift_right_arithmetic3A_143 = arith.constant 3 : i32
    %shift_right_arithmetic3A_144 = vector.broadcast %shift_right_arithmetic3A_143 : i32 to vector<16xi32>
    %shift_right_arithmetic3A_145 = arith.shrsi %get3A_142, %shift_right_arithmetic3A_144 : vector<16xi32>
    %swap3A_146 = arith.constant 224 : index
    %swap3A_147 = tpu.vector_load %arg11[%swap3A_146] {strides = array<i32>} : memref<512xi32, #tpu.memory_space<vmem>>, vector<16xi32>,
    %swap3A_148 = vector.shape_cast %swap3A_147 : vector<16xi32> to vector<16xi32>
    %swap3A_149 = vector.shape_cast %shift_right_arithmetic3A_145 : vector<16xi32> to vector<16xi32>
    tpu.vector_store %arg11[%swap3A_146], %swap3A_149 {strides = array<i32>} : memref<512xi32, #tpu.memory_space<vmem>>, vector<16xi32>,
    %get3A_150 = arith.constant 240 : index
    %get3A_151 = tpu.vector_load %arg11[%get3A_150] {strides = array<i32>} : memref<512xi32, #tpu.memory_space<vmem>>, vector<16xi32>,
    %get3A_152 = vector.shape_cast %get3A_151 : vector<16xi32> to vector<16xi32>
    %shift_right_arithmetic3A_153 = arith.constant 3 : i32
    %shift_right_arithmetic3A_154 = vector.broadcast %shift_right_arithmetic3A_153 : i32 to vector<16xi32>
    %shift_right_arithmetic3A_155 = arith.shrsi %get3A_152, %shift_right_arithmetic3A_154 : vector<16xi32>
    %swap3A_156 = arith.constant 240 : index
    %swap3A_157 = tpu.vector_load %arg11[%swap3A_156] {strides = array<i32>} : memref<512xi32, #tpu.memory_space<vmem>>, vector<16xi32>,
    %swap3A_158 = vector.shape_cast %swap3A_157 : vector<16xi32> to vector<16xi32>
    %swap3A_159 = vector.shape_cast %shift_right_arithmetic3A_155 : vector<16xi32> to vector<16xi32>
    tpu.vector_store %arg11[%swap3A_156], %swap3A_159 {strides = array<i32>} : memref<512xi32, #tpu.memory_space<vmem>>, vector<16xi32>,
    %get3A_160 = arith.constant 256 : index
    %get3A_161 = tpu.vector_load %arg11[%get3A_160] {strides = array<i32>} : memref<512xi32, #tpu.memory_space<vmem>>, vector<16xi32>,
    %get3A_162 = vector.shape_cast %get3A_161 : vector<16xi32> to vector<16xi32>
    %shift_right_arithmetic3A_163 = arith.constant 3 : i32
    %shift_right_arithmetic3A_164 = vector.broadcast %shift_right_arithmetic3A_163 : i32 to vector<16xi32>
    %shift_right_arithmetic3A_165 = arith.shrsi %get3A_162, %shift_right_arithmetic3A_164 : vector<16xi32>
    %swap3A_166 = arith.constant 256 : index
    %swap3A_167 = tpu.vector_load %arg11[%swap3A_166] {strides = array<i32>} : memref<512xi32, #tpu.memory_space<vmem>>, vector<16xi32>,
    %swap3A_168 = vector.shape_cast %swap3A_167 : vector<16xi32> to vector<16xi32>
    %swap3A_169 = vector.shape_cast %shift_right_arithmetic3A_165 : vector<16xi32> to vector<16xi32>
    tpu.vector_store %arg11[%swap3A_166], %swap3A_169 {strides = array<i32>} : memref<512xi32, #tpu.memory_space<vmem>>, vector<16xi32>,
    %get3A_170 = arith.constant 272 : index
    %get3A_171 = tpu.vector_load %arg11[%get3A_170] {strides = array<i32>} : memref<512xi32, #tpu.memory_space<vmem>>, vector<16xi32>,
    %get3A_172 = vector.shape_cast %get3A_171 : vector<16xi32> to vector<16xi32>
    %shift_right_arithmetic3A_173 = arith.constant 3 : i32
    %shift_right_arithmetic3A_174 = vector.broadcast %shift_right_arithmetic3A_173 : i32 to vector<16xi32>
    %shift_right_arithmetic3A_175 = arith.shrsi %get3A_172, %shift_right_arithmetic3A_174 : vector<16xi32>
    %swap3A_176 = arith.constant 272 : index
    %swap3A_177 = tpu.vector_load %arg11[%swap3A_176] {strides = array<i32>} : memref<512xi32, #tpu.memory_space<vmem>>, vector<16xi32>,
    %swap3A_178 = vector.shape_cast %swap3A_177 : vector<16xi32> to vector<16xi32>
    %swap3A_179 = vector.shape_cast %shift_right_arithmetic3A_175 : vector<16xi32> to vector<16xi32>
    tpu.vector_store %arg11[%swap3A_176], %swap3A_179 {strides = array<i32>} : memref<512xi32, #tpu.memory_space<vmem>>, vector<16xi32>,
    %get3A_180 = arith.constant 288 : index
    %get3A_181 = tpu.vector_load %arg11[%get3A_180] {strides = array<i32>} : memref<512xi32, #tpu.memory_space<vmem>>, vector<16xi32>,
    %get3A_182 = vector.shape_cast %get3A_181 : vector<16xi32> to vector<16xi32>
    %shift_right_arithmetic3A_183 = arith.constant 3 : i32
    %shift_right_arithmetic3A_184 = vector.broadcast %shift_right_arithmetic3A_183 : i32 to vector<16xi32>
    %shift_right_arithmetic3A_185 = arith.shrsi %get3A_182, %shift_right_arithmetic3A_184 : vector<16xi32>
    %swap3A_186 = arith.constant 288 : index
    %swap3A_187 = tpu.vector_load %arg11[%swap3A_186] {strides = array<i32>} : memref<512xi32, #tpu.memory_space<vmem>>, vector<16xi32>,
    %swap3A_188 = vector.shape_cast %swap3A_187 : vector<16xi32> to vector<16xi32>
    %swap3A_189 = vector.shape_cast %shift_right_arithmetic3A_185 : vector<16xi32> to vector<16xi32>
    tpu.vector_store %arg11[%swap3A_186], %swap3A_189 {strides = array<i32>} : memref<512xi32, #tpu.memory_space<vmem>>, vector<16xi32>,
    %get3A_190 = arith.constant 304 : index
    %get3A_191 = tpu.vector_load %arg11[%get3A_190] {strides = array<i32>} : memref<512xi32, #tpu.memory_space<vmem>>, vector<16xi32>,
    %get3A_192 = vector.shape_cast %get3A_191 : vector<16xi32> to vector<16xi32>
    %shift_right_arithmetic3A_193 = arith.constant 3 : i32
    %shift_right_arithmetic3A_194 = vector.broadcast %shift_right_arithmetic3A_193 : i32 to vector<16xi32>
    %shift_right_arithmetic3A_195 = arith.shrsi %get3A_192, %shift_right_arithmetic3A_194 : vector<16xi32>
    %swap3A_196 = arith.constant 304 : index
    %swap3A_197 = tpu.vector_load %arg11[%swap3A_196] {strides = array<i32>} : memref<512xi32, #tpu.memory_space<vmem>>, vector<16xi32>,
    %swap3A_198 = vector.shape_cast %swap3A_197 : vector<16xi32> to vector<16xi32>
    %swap3A_199 = vector.shape_cast %shift_right_arithmetic3A_195 : vector<16xi32> to vector<16xi32>
    tpu.vector_store %arg11[%swap3A_196], %swap3A_199 {strides = array<i32>} : memref<512xi32, #tpu.memory_space<vmem>>, vector<16xi32>,
    %get3A_200 = arith.constant 320 : index
    %get3A_201 = tpu.vector_load %arg11[%get3A_200] {strides = array<i32>} : memref<512xi32, #tpu.memory_space<vmem>>, vector<16xi32>,
    %get3A_202 = vector.shape_cast %get3A_201 : vector<16xi32> to vector<16xi32>
    %shift_right_arithmetic3A_203 = arith.constant 3 : i32
    %shift_right_arithmetic3A_204 = vector.broadcast %shift_right_arithmetic3A_203 : i32 to vector<16xi32>
    %shift_right_arithmetic3A_205 = arith.shrsi %get3A_202, %shift_right_arithmetic3A_204 : vector<16xi32>
    %swap3A_206 = arith.constant 320 : index
    %swap3A_207 = tpu.vector_load %arg11[%swap3A_206] {strides = array<i32>} : memref<512xi32, #tpu.memory_space<vmem>>, vector<16xi32>,
    %swap3A_208 = vector.shape_cast %swap3A_207 : vector<16xi32> to vector<16xi32>
    %swap3A_209 = vector.shape_cast %shift_right_arithmetic3A_205 : vector<16xi32> to vector<16xi32>
    tpu.vector_store %arg11[%swap3A_206], %swap3A_209 {strides = array<i32>} : memref<512xi32, #tpu.memory_space<vmem>>, vector<16xi32>,
    %get3A_210 = arith.constant 336 : index
    %get3A_211 = tpu.vector_load %arg11[%get3A_210] {strides = array<i32>} : memref<512xi32, #tpu.memory_space<vmem>>, vector<16xi32>,
    %get3A_212 = vector.shape_cast %get3A_211 : vector<16xi32> to vector<16xi32>
    %shift_right_arithmetic3A_213 = arith.constant 3 : i32
    %shift_right_arithmetic3A_214 = vector.broadcast %shift_right_arithmetic3A_213 : i32 to vector<16xi32>
    %shift_right_arithmetic3A_215 = arith.shrsi %get3A_212, %shift_right_arithmetic3A_214 : vector<16xi32>
    %swap3A_216 = arith.constant 336 : index
    %swap3A_217 = tpu.vector_load %arg11[%swap3A_216] {strides = array<i32>} : memref<512xi32, #tpu.memory_space<vmem>>, vector<16xi32>,
    %swap3A_218 = vector.shape_cast %swap3A_217 : vector<16xi32> to vector<16xi32>
    %swap3A_219 = vector.shape_cast %shift_right_arithmetic3A_215 : vector<16xi32> to vector<16xi32>
    tpu.vector_store %arg11[%swap3A_216], %swap3A_219 {strides = array<i32>} : memref<512xi32, #tpu.memory_space<vmem>>, vector<16xi32>,
    %get3A_220 = arith.constant 352 : index
    %get3A_221 = tpu.vector_load %arg11[%get3A_220] {strides = array<i32>} : memref<512xi32, #tpu.memory_space<vmem>>, vector<16xi32>,
    %get3A_222 = vector.shape_cast %get3A_221 : vector<16xi32> to vector<16xi32>
    %shift_right_arithmetic3A_223 = arith.constant 3 : i32
    %shift_right_arithmetic3A_224 = vector.broadcast %shift_right_arithmetic3A_223 : i32 to vector<16xi32>
    %shift_right_arithmetic3A_225 = arith.shrsi %get3A_222, %shift_right_arithmetic3A_224 : vector<16xi32>
    %swap3A_226 = arith.constant 352 : index
    %swap3A_227 = tpu.vector_load %arg11[%swap3A_226] {strides = array<i32>} : memref<512xi32, #tpu.memory_space<vmem>>, vector<16xi32>,
    %swap3A_228 = vector.shape_cast %swap3A_227 : vector<16xi32> to vector<16xi32>
    %swap3A_229 = vector.shape_cast %shift_right_arithmetic3A_225 : vector<16xi32> to vector<16xi32>
    tpu.vector_store %arg11[%swap3A_226], %swap3A_229 {strides = array<i32>} : memref<512xi32, #tpu.memory_space<vmem>>, vector<16xi32>,
    %get3A_230 = arith.constant 368 : index
    %get3A_231 = tpu.vector_load %arg11[%get3A_230] {strides = array<i32>} : memref<512xi32, #tpu.memory_space<vmem>>, vector<16xi32>,
    %get3A_232 = vector.shape_cast %get3A_231 : vector<16xi32> to vector<16xi32>
    %shift_right_arithmetic3A_233 = arith.constant 3 : i32
    %shift_right_arithmetic3A_234 = vector.broadcast %shift_right_arithmetic3A_233 : i32 to vector<16xi32>
    %shift_right_arithmetic3A_235 = arith.shrsi %get3A_232, %shift_right_arithmetic3A_234 : vector<16xi32>
    %swap3A_236 = arith.constant 368 : index
    %swap3A_237 = tpu.vector_load %arg11[%swap3A_236] {strides = array<i32>} : memref<512xi32, #tpu.memory_space<vmem>>, vector<16xi32>,
    %swap3A_238 = vector.shape_cast %swap3A_237 : vector<16xi32> to vector<16xi32>
    %swap3A_239 = vector.shape_cast %shift_right_arithmetic3A_235 : vector<16xi32> to vector<16xi32>
    tpu.vector_store %arg11[%swap3A_236], %swap3A_239 {strides = array<i32>} : memref<512xi32, #tpu.memory_space<vmem>>, vector<16xi32>,
    %get3A_240 = arith.constant 384 : index
    %get3A_241 = tpu.vector_load %arg11[%get3A_240] {strides = array<i32>} : memref<512xi32, #tpu.memory_space<vmem>>, vector<16xi32>,
    %get3A_242 = vector.shape_cast %get3A_241 : vector<16xi32> to vector<16xi32>
    %shift_right_arithmetic3A_243 = arith.constant 3 : i32
    %shift_right_arithmetic3A_244 = vector.broadcast %shift_right_arithmetic3A_243 : i32 to vector<16xi32>
    %shift_right_arithmetic3A_245 = arith.shrsi %get3A_242, %shift_right_arithmetic3A_244 : vector<16xi32>
    %swap3A_246 = arith.constant 384 : index
    %swap3A_247 = tpu.vector_load %arg11[%swap3A_246] {strides = array<i32>} : memref<512xi32, #tpu.memory_space<vmem>>, vector<16xi32>,
    %swap3A_248 = vector.shape_cast %swap3A_247 : vector<16xi32> to vector<16xi32>
    %swap3A_249 = vector.shape_cast %shift_right_arithmetic3A_245 : vector<16xi32> to vector<16xi32>
    tpu.vector_store %arg11[%swap3A_246], %swap3A_249 {strides = array<i32>} : memref<512xi32, #tpu.memory_space<vmem>>, vector<16xi32>,
    %get3A_250 = arith.constant 400 : index
    %get3A_251 = tpu.vector_load %arg11[%get3A_250] {strides = array<i32>} : memref<512xi32, #tpu.memory_space<vmem>>, vector<16xi32>,
    %get3A_252 = vector.shape_cast %get3A_251 : vector<16xi32> to vector<16xi32>
    %shift_right_arithmetic3A_253 = arith.constant 3 : i32
    %shift_right_arithmetic3A_254 = vector.broadcast %shift_right_arithmetic3A_253 : i32 to vector<16xi32>
    %shift_right_arithmetic3A_255 = arith.shrsi %get3A_252, %shift_right_arithmetic3A_254 : vector<16xi32>
    %swap3A_256 = arith.constant 400 : index
    %swap3A_257 = tpu.vector_load %arg11[%swap3A_256] {strides = array<i32>} : memref<512xi32, #tpu.memory_space<vmem>>, vector<16xi32>,
    %swap3A_258 = vector.shape_cast %swap3A_257 : vector<16xi32> to vector<16xi32>
    %swap3A_259 = vector.shape_cast %shift_right_arithmetic3A_255 : vector<16xi32> to vector<16xi32>
    tpu.vector_store %arg11[%swap3A_256], %swap3A_259 {strides = array<i32>} : memref<512xi32, #tpu.memory_space<vmem>>, vector<16xi32>,
    %get3A_260 = arith.constant 416 : index
    %get3A_261 = tpu.vector_load %arg11[%get3A_260] {strides = array<i32>} : memref<512xi32, #tpu.memory_space<vmem>>, vector<16xi32>,
    %get3A_262 = vector.shape_cast %get3A_261 : vector<16xi32> to vector<16xi32>
    %shift_right_arithmetic3A_263 = arith.constant 3 : i32
    %shift_right_arithmetic3A_264 = vector.broadcast %shift_right_arithmetic3A_263 : i32 to vector<16xi32>
    %shift_right_arithmetic3A_265 = arith.shrsi %get3A_262, %shift_right_arithmetic3A_264 : vector<16xi32>
    %swap3A_266 = arith.constant 416 : index
    %swap3A_267 = tpu.vector_load %arg11[%swap3A_266] {strides = array<i32>} : memref<512xi32, #tpu.memory_space<vmem>>, vector<16xi32>,
    %swap3A_268 = vector.shape_cast %swap3A_267 : vector<16xi32> to vector<16xi32>
    %swap3A_269 = vector.shape_cast %shift_right_arithmetic3A_265 : vector<16xi32> to vector<16xi32>
    tpu.vector_store %arg11[%swap3A_266], %swap3A_269 {strides = array<i32>} : memref<512xi32, #tpu.memory_space<vmem>>, vector<16xi32>,
    %get3A_270 = arith.constant 432 : index
    %get3A_271 = tpu.vector_load %arg11[%get3A_270] {strides = array<i32>} : memref<512xi32, #tpu.memory_space<vmem>>, vector<16xi32>,
    %get3A_272 = vector.shape_cast %get3A_271 : vector<16xi32> to vector<16xi32>
    %shift_right_arithmetic3A_273 = arith.constant 3 : i32
    %shift_right_arithmetic3A_274 = vector.broadcast %shift_right_arithmetic3A_273 : i32 to vector<16xi32>
    %shift_right_arithmetic3A_275 = arith.shrsi %get3A_272, %shift_right_arithmetic3A_274 : vector<16xi32>
    %swap3A_276 = arith.constant 432 : index
    %swap3A_277 = tpu.vector_load %arg11[%swap3A_276] {strides = array<i32>} : memref<512xi32, #tpu.memory_space<vmem>>, vector<16xi32>,
    %swap3A_278 = vector.shape_cast %swap3A_277 : vector<16xi32> to vector<16xi32>
    %swap3A_279 = vector.shape_cast %shift_right_arithmetic3A_275 : vector<16xi32> to vector<16xi32>
    tpu.vector_store %arg11[%swap3A_276], %swap3A_279 {strides = array<i32>} : memref<512xi32, #tpu.memory_space<vmem>>, vector<16xi32>,
    %get3A_280 = arith.constant 448 : index
    %get3A_281 = tpu.vector_load %arg11[%get3A_280] {strides = array<i32>} : memref<512xi32, #tpu.memory_space<vmem>>, vector<16xi32>,
    %get3A_282 = vector.shape_cast %get3A_281 : vector<16xi32> to vector<16xi32>
    %shift_right_arithmetic3A_283 = arith.constant 3 : i32
    %shift_right_arithmetic3A_284 = vector.broadcast %shift_right_arithmetic3A_283 : i32 to vector<16xi32>
    %shift_right_arithmetic3A_285 = arith.shrsi %get3A_282, %shift_right_arithmetic3A_284 : vector<16xi32>
    %swap3A_286 = arith.constant 448 : index
    %swap3A_287 = tpu.vector_load %arg11[%swap3A_286] {strides = array<i32>} : memref<512xi32, #tpu.memory_space<vmem>>, vector<16xi32>,
    %swap3A_288 = vector.shape_cast %swap3A_287 : vector<16xi32> to vector<16xi32>
    %swap3A_289 = vector.shape_cast %shift_right_arithmetic3A_285 : vector<16xi32> to vector<16xi32>
    tpu.vector_store %arg11[%swap3A_286], %swap3A_289 {strides = array<i32>} : memref<512xi32, #tpu.memory_space<vmem>>, vector<16xi32>,
    %get3A_290 = arith.constant 464 : index
    %get3A_291 = tpu.vector_load %arg11[%get3A_290] {strides = array<i32>} : memref<512xi32, #tpu.memory_space<vmem>>, vector<16xi32>,
    %get3A_292 = vector.shape_cast %get3A_291 : vector<16xi32> to vector<16xi32>
    %shift_right_arithmetic3A_293 = arith.constant 3 : i32
    %shift_right_arithmetic3A_294 = vector.broadcast %shift_right_arithmetic3A_293 : i32 to vector<16xi32>
    %shift_right_arithmetic3A_295 = arith.shrsi %get3A_292, %shift_right_arithmetic3A_294 : vector<16xi32>
    %swap3A_296 = arith.constant 464 : index
    %swap3A_297 = tpu.vector_load %arg11[%swap3A_296] {strides = array<i32>} : memref<512xi32, #tpu.memory_space<vmem>>, vector<16xi32>,
    %swap3A_298 = vector.shape_cast %swap3A_297 : vector<16xi32> to vector<16xi32>
    %swap3A_299 = vector.shape_cast %shift_right_arithmetic3A_295 : vector<16xi32> to vector<16xi32>
    tpu.vector_store %arg11[%swap3A_296], %swap3A_299 {strides = array<i32>} : memref<512xi32, #tpu.memory_space<vmem>>, vector<16xi32>,
    %get3A_300 = arith.constant 480 : index
    %get3A_301 = tpu.vector_load %arg11[%get3A_300] {strides = array<i32>} : memref<512xi32, #tpu.memory_space<vmem>>, vector<16xi32>,
    %get3A_302 = vector.shape_cast %get3A_301 : vector<16xi32> to vector<16xi32>
    %shift_right_arithmetic3A_303 = arith.constant 3 : i32
    %shift_right_arithmetic3A_304 = vector.broadcast %shift_right_arithmetic3A_303 : i32 to vector<16xi32>
    %shift_right_arithmetic3A_305 = arith.shrsi %get3A_302, %shift_right_arithmetic3A_304 : vector<16xi32>
    %swap3A_306 = arith.constant 480 : index
    %swap3A_307 = tpu.vector_load %arg11[%swap3A_306] {strides = array<i32>} : memref<512xi32, #tpu.memory_space<vmem>>, vector<16xi32>,
    %swap3A_308 = vector.shape_cast %swap3A_307 : vector<16xi32> to vector<16xi32>
    %swap3A_309 = vector.shape_cast %shift_right_arithmetic3A_305 : vector<16xi32> to vector<16xi32>
    tpu.vector_store %arg11[%swap3A_306], %swap3A_309 {strides = array<i32>} : memref<512xi32, #tpu.memory_space<vmem>>, vector<16xi32>,
    %get3A_310 = arith.constant 496 : index
    %get3A_311 = tpu.vector_load %arg11[%get3A_310] {strides = array<i32>} : memref<512xi32, #tpu.memory_space<vmem>>, vector<16xi32>,
    %get3A_312 = vector.shape_cast %get3A_311 : vector<16xi32> to vector<16xi32>
    %shift_right_arithmetic3A_313 = arith.constant 3 : i32
    %shift_right_arithmetic3A_314 = vector.broadcast %shift_right_arithmetic3A_313 : i32 to vector<16xi32>
    %shift_right_arithmetic3A_315 = arith.shrsi %get3A_312, %shift_right_arithmetic3A_314 : vector<16xi32>
    %swap3A_316 = arith.constant 496 : index
    %swap3A_317 = tpu.vector_load %arg11[%swap3A_316] {strides = array<i32>} : memref<512xi32, #tpu.memory_space<vmem>>, vector<16xi32>,
    %swap3A_318 = vector.shape_cast %swap3A_317 : vector<16xi32> to vector<16xi32>
    %swap3A_319 = vector.shape_cast %shift_right_arithmetic3A_315 : vector<16xi32> to vector<16xi32>
    tpu.vector_store %arg11[%swap3A_316], %swap3A_319 {strides = array<i32>} : memref<512xi32, #tpu.memory_space<vmem>>, vector<16xi32>,
    %dma_start3A = arith.constant 0 : i32
    %dma_start3A_320 = arith.constant 0 : i32
    %dma_start3A_321 = tpu.memref_slice %arg12[%dma_start3A, %dma_start3A_320] : memref<512x128xf32, #tpu.memory_space<vmem>> -> memref<64x128xf32, #tpu.memory_space<vmem>>
    %dma_start3A_322 = arith.constant 0 : i32
    %dma_start3A_323 = tpu.memref_slice %arg11[%dma_start3A_322] : memref<512xi32, #tpu.memory_space<vmem>> -> memref<64xi32, #tpu.memory_space<vmem>>
    %dma_start3A_324 = arith.constant 0 : i32
    %dma_start3A_325 = arith.constant 0 : i32
    %dma_start3A_326 = tpu.memref_slice %arg5[%dma_start3A_324, %dma_start3A_325] : memref<125x128xf32, #tpu.memory_space<hbm>> -> memref<125x128xf32, #tpu.memory_space<hbm>>
    tpu.enqueue_indirect_dma source(%dma_start3A_326 : memref<125x128xf32, #tpu.memory_space<hbm>>) target(%dma_start3A_321 : memref<64x128xf32, #tpu.memory_space<vmem>>) offsets(%dma_start3A_323 : memref<64xi32, #tpu.memory_space<vmem>>) semaphore(%arg13 : memref<!tpu.dma_semaphore, #tpu.memory_space<semaphore_mem>>)
    %dma_start3A_327 = arith.constant 64 : i32
    %dma_start3A_328 = arith.constant 0 : i32
    %dma_start3A_329 = tpu.memref_slice %arg12[%dma_start3A_327, %dma_start3A_328] : memref<512x128xf32, #tpu.memory_space<vmem>> -> memref<64x128xf32, #tpu.memory_space<vmem>>
    %dma_start3A_330 = arith.constant 64 : i32
    %dma_start3A_331 = tpu.memref_slice %arg11[%dma_start3A_330] : memref<512xi32, #tpu.memory_space<vmem>> -> memref<64xi32, #tpu.memory_space<vmem>>
    %dma_start3A_332 = arith.constant 0 : i32
    %dma_start3A_333 = arith.constant 0 : i32
    %dma_start3A_334 = tpu.memref_slice %arg5[%dma_start3A_332, %dma_start3A_333] : memref<125x128xf32, #tpu.memory_space<hbm>> -> memref<125x128xf32, #tpu.memory_space<hbm>>
    tpu.enqueue_indirect_dma source(%dma_start3A_334 : memref<125x128xf32, #tpu.memory_space<hbm>>) target(%dma_start3A_329 : memref<64x128xf32, #tpu.memory_space<vmem>>) offsets(%dma_start3A_331 : memref<64xi32, #tpu.memory_space<vmem>>) semaphore(%arg13 : memref<!tpu.dma_semaphore, #tpu.memory_space<semaphore_mem>>)
    %dma_start3A_335 = arith.constant 128 : i32
    %dma_start3A_336 = arith.constant 0 : i32
    %dma_start3A_337 = tpu.memref_slice %arg12[%dma_start3A_335, %dma_start3A_336] : memref<512x128xf32, #tpu.memory_space<vmem>> -> memref<64x128xf32, #tpu.memory_space<vmem>>
    %dma_start3A_338 = arith.constant 128 : i32
    %dma_start3A_339 = tpu.memref_slice %arg11[%dma_start3A_338] : memref<512xi32, #tpu.memory_space<vmem>> -> memref<64xi32, #tpu.memory_space<vmem>>
    %dma_start3A_340 = arith.constant 0 : i32
    %dma_start3A_341 = arith.constant 0 : i32
    %dma_start3A_342 = tpu.memref_slice %arg5[%dma_start3A_340, %dma_start3A_341] : memref<125x128xf32, #tpu.memory_space<hbm>> -> memref<125x128xf32, #tpu.memory_space<hbm>>
    tpu.enqueue_indirect_dma source(%dma_start3A_342 : memref<125x128xf32, #tpu.memory_space<hbm>>) target(%dma_start3A_337 : memref<64x128xf32, #tpu.memory_space<vmem>>) offsets(%dma_start3A_339 : memref<64xi32, #tpu.memory_space<vmem>>) semaphore(%arg13 : memref<!tpu.dma_semaphore, #tpu.memory_space<semaphore_mem>>)
    %dma_start3A_343 = arith.constant 192 : i32
    %dma_start3A_344 = arith.constant 0 : i32
    %dma_start3A_345 = tpu.memref_slice %arg12[%dma_start3A_343, %dma_start3A_344] : memref<512x128xf32, #tpu.memory_space<vmem>> -> memref<64x128xf32, #tpu.memory_space<vmem>>
    %dma_start3A_346 = arith.constant 192 : i32
    %dma_start3A_347 = tpu.memref_slice %arg11[%dma_start3A_346] : memref<512xi32, #tpu.memory_space<vmem>> -> memref<64xi32, #tpu.memory_space<vmem>>
    %dma_start3A_348 = arith.constant 0 : i32
    %dma_start3A_349 = arith.constant 0 : i32
    %dma_start3A_350 = tpu.memref_slice %arg5[%dma_start3A_348, %dma_start3A_349] : memref<125x128xf32, #tpu.memory_space<hbm>> -> memref<125x128xf32, #tpu.memory_space<hbm>>
    tpu.enqueue_indirect_dma source(%dma_start3A_350 : memref<125x128xf32, #tpu.memory_space<hbm>>) target(%dma_start3A_345 : memref<64x128xf32, #tpu.memory_space<vmem>>) offsets(%dma_start3A_347 : memref<64xi32, #tpu.memory_space<vmem>>) semaphore(%arg13 : memref<!tpu.dma_semaphore, #tpu.memory_space<semaphore_mem>>)
    %dma_start3A_351 = arith.constant 256 : i32
    %dma_start3A_352 = arith.constant 0 : i32
    %dma_start3A_353 = tpu.memref_slice %arg12[%dma_start3A_351, %dma_start3A_352] : memref<512x128xf32, #tpu.memory_space<vmem>> -> memref<64x128xf32, #tpu.memory_space<vmem>>
    %dma_start3A_354 = arith.constant 256 : i32
    %dma_start3A_355 = tpu.memref_slice %arg11[%dma_start3A_354] : memref<512xi32, #tpu.memory_space<vmem>> -> memref<64xi32, #tpu.memory_space<vmem>>
    %dma_start3A_356 = arith.constant 0 : i32
    %dma_start3A_357 = arith.constant 0 : i32
    %dma_start3A_358 = tpu.memref_slice %arg5[%dma_start3A_356, %dma_start3A_357] : memref<125x128xf32, #tpu.memory_space<hbm>> -> memref<125x128xf32, #tpu.memory_space<hbm>>
    tpu.enqueue_indirect_dma source(%dma_start3A_358 : memref<125x128xf32, #tpu.memory_space<hbm>>) target(%dma_start3A_353 : memref<64x128xf32, #tpu.memory_space<vmem>>) offsets(%dma_start3A_355 : memref<64xi32, #tpu.memory_space<vmem>>) semaphore(%arg13 : memref<!tpu.dma_semaphore, #tpu.memory_space<semaphore_mem>>)
    %dma_start3A_359 = arith.constant 320 : i32
    %dma_start3A_360 = arith.constant 0 : i32
    %dma_start3A_361 = tpu.memref_slice %arg12[%dma_start3A_359, %dma_start3A_360] : memref<512x128xf32, #tpu.memory_space<vmem>> -> memref<64x128xf32, #tpu.memory_space<vmem>>
    %dma_start3A_362 = arith.constant 320 : i32
    %dma_start3A_363 = tpu.memref_slice %arg11[%dma_start3A_362] : memref<512xi32, #tpu.memory_space<vmem>> -> memref<64xi32, #tpu.memory_space<vmem>>
    %dma_start3A_364 = arith.constant 0 : i32
    %dma_start3A_365 = arith.constant 0 : i32
    %dma_start3A_366 = tpu.memref_slice %arg5[%dma_start3A_364, %dma_start3A_365] : memref<125x128xf32, #tpu.memory_space<hbm>> -> memref<125x128xf32, #tpu.memory_space<hbm>>
    tpu.enqueue_indirect_dma source(%dma_start3A_366 : memref<125x128xf32, #tpu.memory_space<hbm>>) target(%dma_start3A_361 : memref<64x128xf32, #tpu.memory_space<vmem>>) offsets(%dma_start3A_363 : memref<64xi32, #tpu.memory_space<vmem>>) semaphore(%arg13 : memref<!tpu.dma_semaphore, #tpu.memory_space<semaphore_mem>>)
    %dma_start3A_367 = arith.constant 384 : i32
    %dma_start3A_368 = arith.constant 0 : i32
    %dma_start3A_369 = tpu.memref_slice %arg12[%dma_start3A_367, %dma_start3A_368] : memref<512x128xf32, #tpu.memory_space<vmem>> -> memref<64x128xf32, #tpu.memory_space<vmem>>
    %dma_start3A_370 = arith.constant 384 : i32
    %dma_start3A_371 = tpu.memref_slice %arg11[%dma_start3A_370] : memref<512xi32, #tpu.memory_space<vmem>> -> memref<64xi32, #tpu.memory_space<vmem>>
    %dma_start3A_372 = arith.constant 0 : i32
    %dma_start3A_373 = arith.constant 0 : i32
    %dma_start3A_374 = tpu.memref_slice %arg5[%dma_start3A_372, %dma_start3A_373] : memref<125x128xf32, #tpu.memory_space<hbm>> -> memref<125x128xf32, #tpu.memory_space<hbm>>
    tpu.enqueue_indirect_dma source(%dma_start3A_374 : memref<125x128xf32, #tpu.memory_space<hbm>>) target(%dma_start3A_369 : memref<64x128xf32, #tpu.memory_space<vmem>>) offsets(%dma_start3A_371 : memref<64xi32, #tpu.memory_space<vmem>>) semaphore(%arg13 : memref<!tpu.dma_semaphore, #tpu.memory_space<semaphore_mem>>)
    %dma_start3A_375 = arith.constant 448 : i32
    %dma_start3A_376 = arith.constant 0 : i32
    %dma_start3A_377 = tpu.memref_slice %arg12[%dma_start3A_375, %dma_start3A_376] : memref<512x128xf32, #tpu.memory_space<vmem>> -> memref<64x128xf32, #tpu.memory_space<vmem>>
    %dma_start3A_378 = arith.constant 448 : i32
    %dma_start3A_379 = tpu.memref_slice %arg11[%dma_start3A_378] : memref<512xi32, #tpu.memory_space<vmem>> -> memref<64xi32, #tpu.memory_space<vmem>>
    %dma_start3A_380 = arith.constant 0 : i32
    %dma_start3A_381 = arith.constant 0 : i32
    %dma_start3A_382 = tpu.memref_slice %arg5[%dma_start3A_380, %dma_start3A_381] : memref<125x128xf32, #tpu.memory_space<hbm>> -> memref<125x128xf32, #tpu.memory_space<hbm>>
    tpu.enqueue_indirect_dma source(%dma_start3A_382 : memref<125x128xf32, #tpu.memory_space<hbm>>) target(%dma_start3A_377 : memref<64x128xf32, #tpu.memory_space<vmem>>) offsets(%dma_start3A_379 : memref<64xi32, #tpu.memory_space<vmem>>) semaphore(%arg13 : memref<!tpu.dma_semaphore, #tpu.memory_space<semaphore_mem>>)
    %dma_wait3A = arith.constant 0 : i32
    %dma_wait3A_383 = arith.constant 0 : i32
    %dma_wait3A_384 = tpu.memref_slice %arg12[%dma_wait3A, %dma_wait3A_383] : memref<512x128xf32, #tpu.memory_space<vmem>> -> memref<64x128xf32, #tpu.memory_space<vmem>>
    %dma_wait3A_385 = arith.constant 0 : i32
    %dma_wait3A_386 = tpu.memref_slice %arg11[%dma_wait3A_385] : memref<512xi32, #tpu.memory_space<vmem>> -> memref<64xi32, #tpu.memory_space<vmem>>
    %dma_wait3A_387 = arith.constant 0 : i32
    %dma_wait3A_388 = arith.constant 0 : i32
    %dma_wait3A_389 = tpu.memref_slice %arg5[%dma_wait3A_387, %dma_wait3A_388] : memref<125x128xf32, #tpu.memory_space<hbm>> -> memref<125x128xf32, #tpu.memory_space<hbm>>
    tpu.wait_indirect_dma semaphore(%arg13 : memref<!tpu.dma_semaphore, #tpu.memory_space<semaphore_mem>>) src(%dma_wait3A_389 : memref<125x128xf32, #tpu.memory_space<hbm>>) dst(%dma_wait3A_384 : memref<64x128xf32, #tpu.memory_space<vmem>>)
    %dma_wait3A_390 = arith.constant 64 : i32
    %dma_wait3A_391 = arith.constant 0 : i32
    %dma_wait3A_392 = tpu.memref_slice %arg12[%dma_wait3A_390, %dma_wait3A_391] : memref<512x128xf32, #tpu.memory_space<vmem>> -> memref<64x128xf32, #tpu.memory_space<vmem>>
    %dma_wait3A_393 = arith.constant 64 : i32
    %dma_wait3A_394 = tpu.memref_slice %arg11[%dma_wait3A_393] : memref<512xi32, #tpu.memory_space<vmem>> -> memref<64xi32, #tpu.memory_space<vmem>>
    %dma_wait3A_395 = arith.constant 0 : i32
    %dma_wait3A_396 = arith.constant 0 : i32
    %dma_wait3A_397 = tpu.memref_slice %arg5[%dma_wait3A_395, %dma_wait3A_396] : memref<125x128xf32, #tpu.memory_space<hbm>> -> memref<125x128xf32, #tpu.memory_space<hbm>>
    tpu.wait_indirect_dma semaphore(%arg13 : memref<!tpu.dma_semaphore, #tpu.memory_space<semaphore_mem>>) src(%dma_wait3A_397 : memref<125x128xf32, #tpu.memory_space<hbm>>) dst(%dma_wait3A_392 : memref<64x128xf32, #tpu.memory_space<vmem>>)
    %dma_wait3A_398 = arith.constant 128 : i32
    %dma_wait3A_399 = arith.constant 0 : i32
    %dma_wait3A_400 = tpu.memref_slice %arg12[%dma_wait3A_398, %dma_wait3A_399] : memref<512x128xf32, #tpu.memory_space<vmem>> -> memref<64x128xf32, #tpu.memory_space<vmem>>
    %dma_wait3A_401 = arith.constant 128 : i32
    %dma_wait3A_402 = tpu.memref_slice %arg11[%dma_wait3A_401] : memref<512xi32, #tpu.memory_space<vmem>> -> memref<64xi32, #tpu.memory_space<vmem>>
    %dma_wait3A_403 = arith.constant 0 : i32
    %dma_wait3A_404 = arith.constant 0 : i32
    %dma_wait3A_405 = tpu.memref_slice %arg5[%dma_wait3A_403, %dma_wait3A_404] : memref<125x128xf32, #tpu.memory_space<hbm>> -> memref<125x128xf32, #tpu.memory_space<hbm>>
    tpu.wait_indirect_dma semaphore(%arg13 : memref<!tpu.dma_semaphore, #tpu.memory_space<semaphore_mem>>) src(%dma_wait3A_405 : memref<125x128xf32, #tpu.memory_space<hbm>>) dst(%dma_wait3A_400 : memref<64x128xf32, #tpu.memory_space<vmem>>)
    %dma_wait3A_406 = arith.constant 192 : i32
    %dma_wait3A_407 = arith.constant 0 : i32
    %dma_wait3A_408 = tpu.memref_slice %arg12[%dma_wait3A_406, %dma_wait3A_407] : memref<512x128xf32, #tpu.memory_space<vmem>> -> memref<64x128xf32, #tpu.memory_space<vmem>>
    %dma_wait3A_409 = arith.constant 192 : i32
    %dma_wait3A_410 = tpu.memref_slice %arg11[%dma_wait3A_409] : memref<512xi32, #tpu.memory_space<vmem>> -> memref<64xi32, #tpu.memory_space<vmem>>
    %dma_wait3A_411 = arith.constant 0 : i32
    %dma_wait3A_412 = arith.constant 0 : i32
    %dma_wait3A_413 = tpu.memref_slice %arg5[%dma_wait3A_411, %dma_wait3A_412] : memref<125x128xf32, #tpu.memory_space<hbm>> -> memref<125x128xf32, #tpu.memory_space<hbm>>
    tpu.wait_indirect_dma semaphore(%arg13 : memref<!tpu.dma_semaphore, #tpu.memory_space<semaphore_mem>>) src(%dma_wait3A_413 : memref<125x128xf32, #tpu.memory_space<hbm>>) dst(%dma_wait3A_408 : memref<64x128xf32, #tpu.memory_space<vmem>>)
    %dma_wait3A_414 = arith.constant 256 : i32
    %dma_wait3A_415 = arith.constant 0 : i32
    %dma_wait3A_416 = tpu.memref_slice %arg12[%dma_wait3A_414, %dma_wait3A_415] : memref<512x128xf32, #tpu.memory_space<vmem>> -> memref<64x128xf32, #tpu.memory_space<vmem>>
    %dma_wait3A_417 = arith.constant 256 : i32
    %dma_wait3A_418 = tpu.memref_slice %arg11[%dma_wait3A_417] : memref<512xi32, #tpu.memory_space<vmem>> -> memref<64xi32, #tpu.memory_space<vmem>>
    %dma_wait3A_419 = arith.constant 0 : i32
    %dma_wait3A_420 = arith.constant 0 : i32
    %dma_wait3A_421 = tpu.memref_slice %arg5[%dma_wait3A_419, %dma_wait3A_420] : memref<125x128xf32, #tpu.memory_space<hbm>> -> memref<125x128xf32, #tpu.memory_space<hbm>>
    tpu.wait_indirect_dma semaphore(%arg13 : memref<!tpu.dma_semaphore, #tpu.memory_space<semaphore_mem>>) src(%dma_wait3A_421 : memref<125x128xf32, #tpu.memory_space<hbm>>) dst(%dma_wait3A_416 : memref<64x128xf32, #tpu.memory_space<vmem>>)
    %dma_wait3A_422 = arith.constant 320 : i32
    %dma_wait3A_423 = arith.constant 0 : i32
    %dma_wait3A_424 = tpu.memref_slice %arg12[%dma_wait3A_422, %dma_wait3A_423] : memref<512x128xf32, #tpu.memory_space<vmem>> -> memref<64x128xf32, #tpu.memory_space<vmem>>
    %dma_wait3A_425 = arith.constant 320 : i32
    %dma_wait3A_426 = tpu.memref_slice %arg11[%dma_wait3A_425] : memref<512xi32, #tpu.memory_space<vmem>> -> memref<64xi32, #tpu.memory_space<vmem>>
    %dma_wait3A_427 = arith.constant 0 : i32
    %dma_wait3A_428 = arith.constant 0 : i32
    %dma_wait3A_429 = tpu.memref_slice %arg5[%dma_wait3A_427, %dma_wait3A_428] : memref<125x128xf32, #tpu.memory_space<hbm>> -> memref<125x128xf32, #tpu.memory_space<hbm>>
    tpu.wait_indirect_dma semaphore(%arg13 : memref<!tpu.dma_semaphore, #tpu.memory_space<semaphore_mem>>) src(%dma_wait3A_429 : memref<125x128xf32, #tpu.memory_space<hbm>>) dst(%dma_wait3A_424 : memref<64x128xf32, #tpu.memory_space<vmem>>)
    %dma_wait3A_430 = arith.constant 384 : i32
    %dma_wait3A_431 = arith.constant 0 : i32
    %dma_wait3A_432 = tpu.memref_slice %arg12[%dma_wait3A_430, %dma_wait3A_431] : memref<512x128xf32, #tpu.memory_space<vmem>> -> memref<64x128xf32, #tpu.memory_space<vmem>>
    %dma_wait3A_433 = arith.constant 384 : i32
    %dma_wait3A_434 = tpu.memref_slice %arg11[%dma_wait3A_433] : memref<512xi32, #tpu.memory_space<vmem>> -> memref<64xi32, #tpu.memory_space<vmem>>
    %dma_wait3A_435 = arith.constant 0 : i32
    %dma_wait3A_436 = arith.constant 0 : i32
    %dma_wait3A_437 = tpu.memref_slice %arg5[%dma_wait3A_435, %dma_wait3A_436] : memref<125x128xf32, #tpu.memory_space<hbm>> -> memref<125x128xf32, #tpu.memory_space<hbm>>
    tpu.wait_indirect_dma semaphore(%arg13 : memref<!tpu.dma_semaphore, #tpu.memory_space<semaphore_mem>>) src(%dma_wait3A_437 : memref<125x128xf32, #tpu.memory_space<hbm>>) dst(%dma_wait3A_432 : memref<64x128xf32, #tpu.memory_space<vmem>>)
    %dma_wait3A_438 = arith.constant 448 : i32
    %dma_wait3A_439 = arith.constant 0 : i32
    %dma_wait3A_440 = tpu.memref_slice %arg12[%dma_wait3A_438, %dma_wait3A_439] : memref<512x128xf32, #tpu.memory_space<vmem>> -> memref<64x128xf32, #tpu.memory_space<vmem>>
    %dma_wait3A_441 = arith.constant 448 : i32
    %dma_wait3A_442 = tpu.memref_slice %arg11[%dma_wait3A_441] : memref<512xi32, #tpu.memory_space<vmem>> -> memref<64xi32, #tpu.memory_space<vmem>>
    %dma_wait3A_443 = arith.constant 0 : i32
    %dma_wait3A_444 = arith.constant 0 : i32
    %dma_wait3A_445 = tpu.memref_slice %arg5[%dma_wait3A_443, %dma_wait3A_444] : memref<125x128xf32, #tpu.memory_space<hbm>> -> memref<125x128xf32, #tpu.memory_space<hbm>>
    tpu.wait_indirect_dma semaphore(%arg13 : memref<!tpu.dma_semaphore, #tpu.memory_space<semaphore_mem>>) src(%dma_wait3A_445 : memref<125x128xf32, #tpu.memory_space<hbm>>) dst(%dma_wait3A_440 : memref<64x128xf32, #tpu.memory_space<vmem>>)
    "tpu.region"() ({
      %run_scoped3A = tpu.sem_alloc : memref<!tpu.dma_semaphore, #tpu.memory_space<semaphore_mem>>
      %dma_start3A_1342 = arith.constant 0 : i32
      %dma_start3A_1343 = tpu.memref_slice %arg8[%mul3A_2, %dma_start3A_1342] : memref<16384x128xf32, #tpu.memory_space<hbm>> -> memref<512x128xf32, #tpu.memory_space<hbm>>
      %dma_start3A_1344 = arith.constant 0 : i32
      %dma_start3A_1345 = tpu.memref_slice %arg8[%mul3A_2, %dma_start3A_1344] : memref<16384x128xf32, #tpu.memory_space<hbm>> -> memref<512x128xf32, #tpu.memory_space<hbm>>
      tpu.enqueue_dma source(%arg12 : memref<512x128xf32, #tpu.memory_space<vmem>>) target(%dma_start3A_1345 : memref<512x128xf32, #tpu.memory_space<hbm>>) target_semaphore(%run_scoped3A : memref<!tpu.dma_semaphore, #tpu.memory_space<semaphore_mem>>)
      %dma_wait3A_1346 = arith.constant 0 : i32
      %dma_wait3A_1347 = tpu.memref_slice %arg8[%mul3A_2, %dma_wait3A_1346] : memref<16384x128xf32, #tpu.memory_space<hbm>> -> memref<512x128xf32, #tpu.memory_space<hbm>>
      %dma_wait3A_1348 = arith.constant 0 : i32
      %dma_wait3A_1349 = tpu.memref_slice %arg8[%mul3A_2, %dma_wait3A_1348] : memref<16384x128xf32, #tpu.memory_space<hbm>> -> memref<512x128xf32, #tpu.memory_space<hbm>>
      tpu.wait_dma2 semaphore(%run_scoped3A : memref<!tpu.dma_semaphore, #tpu.memory_space<semaphore_mem>>) src(%arg12 : memref<512x128xf32, #tpu.memory_space<vmem>>) dst(%dma_wait3A_1349 : memref<512x128xf32, #tpu.memory_space<hbm>>)
      tpu.yield
    }) : () -> ()
    "tpu.region"() ({
      %run_scoped3A = tpu.sem_alloc : memref<!tpu.dma_semaphore, #tpu.memory_space<semaphore_mem>>
      %dma_start3A_1342 = tpu.memref_slice %arg3[%mul3A_2] : memref<16384xi32, #tpu.memory_space<hbm>> -> memref<512xi32, #tpu.memory_space<hbm>>
      %dma_start3A_1343 = tpu.memref_slice %arg3[%mul3A_2] : memref<16384xi32, #tpu.memory_space<hbm>> -> memref<512xi32, #tpu.memory_space<hbm>>
      tpu.enqueue_dma source(%dma_start3A_1343 : memref<512xi32, #tpu.memory_space<hbm>>) target(%arg11 : memref<512xi32, #tpu.memory_space<vmem>>) target_semaphore(%run_scoped3A : memref<!tpu.dma_semaphore, #tpu.memory_space<semaphore_mem>>)
      %dma_wait3A_1344 = tpu.memref_slice %arg3[%mul3A_2] : memref<16384xi32, #tpu.memory_space<hbm>> -> memref<512xi32, #tpu.memory_space<hbm>>
      %dma_wait3A_1345 = tpu.memref_slice %arg3[%mul3A_2] : memref<16384xi32, #tpu.memory_space<hbm>> -> memref<512xi32, #tpu.memory_space<hbm>>
      tpu.wait_dma2 semaphore(%run_scoped3A : memref<!tpu.dma_semaphore, #tpu.memory_space<semaphore_mem>>) src(%dma_wait3A_1345 : memref<512xi32, #tpu.memory_space<hbm>>) dst(%arg11 : memref<512xi32, #tpu.memory_space<vmem>>)
      tpu.yield
    }) : () -> ()
    %get3A_446 = arith.constant 0 : index
    %get3A_447 = tpu.vector_load %arg11[%get3A_446] {strides = array<i32>} : memref<512xi32, #tpu.memory_space<vmem>>, vector<16xi32>,
    %get3A_448 = vector.shape_cast %get3A_447 : vector<16xi32> to vector<16xi32>
    %shift_right_arithmetic3A_449 = arith.constant 3 : i32
    %shift_right_arithmetic3A_450 = vector.broadcast %shift_right_arithmetic3A_449 : i32 to vector<16xi32>
    %shift_right_arithmetic3A_451 = arith.shrsi %get3A_448, %shift_right_arithmetic3A_450 : vector<16xi32>
    %swap3A_452 = arith.constant 0 : index
    %swap3A_453 = tpu.vector_load %arg11[%swap3A_452] {strides = array<i32>} : memref<512xi32, #tpu.memory_space<vmem>>, vector<16xi32>,
    %swap3A_454 = vector.shape_cast %swap3A_453 : vector<16xi32> to vector<16xi32>
    %swap3A_455 = vector.shape_cast %shift_right_arithmetic3A_451 : vector<16xi32> to vector<16xi32>
    tpu.vector_store %arg11[%swap3A_452], %swap3A_455 {strides = array<i32>} : memref<512xi32, #tpu.memory_space<vmem>>, vector<16xi32>,
    %get3A_456 = arith.constant 16 : index
    %get3A_457 = tpu.vector_load %arg11[%get3A_456] {strides = array<i32>} : memref<512xi32, #tpu.memory_space<vmem>>, vector<16xi32>,
    %get3A_458 = vector.shape_cast %get3A_457 : vector<16xi32> to vector<16xi32>
    %shift_right_arithmetic3A_459 = arith.constant 3 : i32
    %shift_right_arithmetic3A_460 = vector.broadcast %shift_right_arithmetic3A_459 : i32 to vector<16xi32>
    %shift_right_arithmetic3A_461 = arith.shrsi %get3A_458, %shift_right_arithmetic3A_460 : vector<16xi32>
    %swap3A_462 = arith.constant 16 : index
    %swap3A_463 = tpu.vector_load %arg11[%swap3A_462] {strides = array<i32>} : memref<512xi32, #tpu.memory_space<vmem>>, vector<16xi32>,
    %swap3A_464 = vector.shape_cast %swap3A_463 : vector<16xi32> to vector<16xi32>
    %swap3A_465 = vector.shape_cast %shift_right_arithmetic3A_461 : vector<16xi32> to vector<16xi32>
    tpu.vector_store %arg11[%swap3A_462], %swap3A_465 {strides = array<i32>} : memref<512xi32, #tpu.memory_space<vmem>>, vector<16xi32>,
    %get3A_466 = arith.constant 32 : index
    %get3A_467 = tpu.vector_load %arg11[%get3A_466] {strides = array<i32>} : memref<512xi32, #tpu.memory_space<vmem>>, vector<16xi32>,
    %get3A_468 = vector.shape_cast %get3A_467 : vector<16xi32> to vector<16xi32>
    %shift_right_arithmetic3A_469 = arith.constant 3 : i32
    %shift_right_arithmetic3A_470 = vector.broadcast %shift_right_arithmetic3A_469 : i32 to vector<16xi32>
    %shift_right_arithmetic3A_471 = arith.shrsi %get3A_468, %shift_right_arithmetic3A_470 : vector<16xi32>
    %swap3A_472 = arith.constant 32 : index
    %swap3A_473 = tpu.vector_load %arg11[%swap3A_472] {strides = array<i32>} : memref<512xi32, #tpu.memory_space<vmem>>, vector<16xi32>,
    %swap3A_474 = vector.shape_cast %swap3A_473 : vector<16xi32> to vector<16xi32>
    %swap3A_475 = vector.shape_cast %shift_right_arithmetic3A_471 : vector<16xi32> to vector<16xi32>
    tpu.vector_store %arg11[%swap3A_472], %swap3A_475 {strides = array<i32>} : memref<512xi32, #tpu.memory_space<vmem>>, vector<16xi32>,
    %get3A_476 = arith.constant 48 : index
    %get3A_477 = tpu.vector_load %arg11[%get3A_476] {strides = array<i32>} : memref<512xi32, #tpu.memory_space<vmem>>, vector<16xi32>,
    %get3A_478 = vector.shape_cast %get3A_477 : vector<16xi32> to vector<16xi32>
    %shift_right_arithmetic3A_479 = arith.constant 3 : i32
    %shift_right_arithmetic3A_480 = vector.broadcast %shift_right_arithmetic3A_479 : i32 to vector<16xi32>
    %shift_right_arithmetic3A_481 = arith.shrsi %get3A_478, %shift_right_arithmetic3A_480 : vector<16xi32>
    %swap3A_482 = arith.constant 48 : index
    %swap3A_483 = tpu.vector_load %arg11[%swap3A_482] {strides = array<i32>} : memref<512xi32, #tpu.memory_space<vmem>>, vector<16xi32>,
    %swap3A_484 = vector.shape_cast %swap3A_483 : vector<16xi32> to vector<16xi32>
    %swap3A_485 = vector.shape_cast %shift_right_arithmetic3A_481 : vector<16xi32> to vector<16xi32>
    tpu.vector_store %arg11[%swap3A_482], %swap3A_485 {strides = array<i32>} : memref<512xi32, #tpu.memory_space<vmem>>, vector<16xi32>,
    %get3A_486 = arith.constant 64 : index
    %get3A_487 = tpu.vector_load %arg11[%get3A_486] {strides = array<i32>} : memref<512xi32, #tpu.memory_space<vmem>>, vector<16xi32>,
    %get3A_488 = vector.shape_cast %get3A_487 : vector<16xi32> to vector<16xi32>
    %shift_right_arithmetic3A_489 = arith.constant 3 : i32
    %shift_right_arithmetic3A_490 = vector.broadcast %shift_right_arithmetic3A_489 : i32 to vector<16xi32>
    %shift_right_arithmetic3A_491 = arith.shrsi %get3A_488, %shift_right_arithmetic3A_490 : vector<16xi32>
    %swap3A_492 = arith.constant 64 : index
    %swap3A_493 = tpu.vector_load %arg11[%swap3A_492] {strides = array<i32>} : memref<512xi32, #tpu.memory_space<vmem>>, vector<16xi32>,
    %swap3A_494 = vector.shape_cast %swap3A_493 : vector<16xi32> to vector<16xi32>
    %swap3A_495 = vector.shape_cast %shift_right_arithmetic3A_491 : vector<16xi32> to vector<16xi32>
    tpu.vector_store %arg11[%swap3A_492], %swap3A_495 {strides = array<i32>} : memref<512xi32, #tpu.memory_space<vmem>>, vector<16xi32>,
    %get3A_496 = arith.constant 80 : index
    %get3A_497 = tpu.vector_load %arg11[%get3A_496] {strides = array<i32>} : memref<512xi32, #tpu.memory_space<vmem>>, vector<16xi32>,
    %get3A_498 = vector.shape_cast %get3A_497 : vector<16xi32> to vector<16xi32>
    %shift_right_arithmetic3A_499 = arith.constant 3 : i32
    %shift_right_arithmetic3A_500 = vector.broadcast %shift_right_arithmetic3A_499 : i32 to vector<16xi32>
    %shift_right_arithmetic3A_501 = arith.shrsi %get3A_498, %shift_right_arithmetic3A_500 : vector<16xi32>
    %swap3A_502 = arith.constant 80 : index
    %swap3A_503 = tpu.vector_load %arg11[%swap3A_502] {strides = array<i32>} : memref<512xi32, #tpu.memory_space<vmem>>, vector<16xi32>,
    %swap3A_504 = vector.shape_cast %swap3A_503 : vector<16xi32> to vector<16xi32>
    %swap3A_505 = vector.shape_cast %shift_right_arithmetic3A_501 : vector<16xi32> to vector<16xi32>
    tpu.vector_store %arg11[%swap3A_502], %swap3A_505 {strides = array<i32>} : memref<512xi32, #tpu.memory_space<vmem>>, vector<16xi32>,
    %get3A_506 = arith.constant 96 : index
    %get3A_507 = tpu.vector_load %arg11[%get3A_506] {strides = array<i32>} : memref<512xi32, #tpu.memory_space<vmem>>, vector<16xi32>,
    %get3A_508 = vector.shape_cast %get3A_507 : vector<16xi32> to vector<16xi32>
    %shift_right_arithmetic3A_509 = arith.constant 3 : i32
    %shift_right_arithmetic3A_510 = vector.broadcast %shift_right_arithmetic3A_509 : i32 to vector<16xi32>
    %shift_right_arithmetic3A_511 = arith.shrsi %get3A_508, %shift_right_arithmetic3A_510 : vector<16xi32>
    %swap3A_512 = arith.constant 96 : index
    %swap3A_513 = tpu.vector_load %arg11[%swap3A_512] {strides = array<i32>} : memref<512xi32, #tpu.memory_space<vmem>>, vector<16xi32>,
    %swap3A_514 = vector.shape_cast %swap3A_513 : vector<16xi32> to vector<16xi32>
    %swap3A_515 = vector.shape_cast %shift_right_arithmetic3A_511 : vector<16xi32> to vector<16xi32>
    tpu.vector_store %arg11[%swap3A_512], %swap3A_515 {strides = array<i32>} : memref<512xi32, #tpu.memory_space<vmem>>, vector<16xi32>,
    %get3A_516 = arith.constant 112 : index
    %get3A_517 = tpu.vector_load %arg11[%get3A_516] {strides = array<i32>} : memref<512xi32, #tpu.memory_space<vmem>>, vector<16xi32>,
    %get3A_518 = vector.shape_cast %get3A_517 : vector<16xi32> to vector<16xi32>
    %shift_right_arithmetic3A_519 = arith.constant 3 : i32
    %shift_right_arithmetic3A_520 = vector.broadcast %shift_right_arithmetic3A_519 : i32 to vector<16xi32>
    %shift_right_arithmetic3A_521 = arith.shrsi %get3A_518, %shift_right_arithmetic3A_520 : vector<16xi32>
    %swap3A_522 = arith.constant 112 : index
    %swap3A_523 = tpu.vector_load %arg11[%swap3A_522] {strides = array<i32>} : memref<512xi32, #tpu.memory_space<vmem>>, vector<16xi32>,
    %swap3A_524 = vector.shape_cast %swap3A_523 : vector<16xi32> to vector<16xi32>
    %swap3A_525 = vector.shape_cast %shift_right_arithmetic3A_521 : vector<16xi32> to vector<16xi32>
    tpu.vector_store %arg11[%swap3A_522], %swap3A_525 {strides = array<i32>} : memref<512xi32, #tpu.memory_space<vmem>>, vector<16xi32>,
    %get3A_526 = arith.constant 128 : index
    %get3A_527 = tpu.vector_load %arg11[%get3A_526] {strides = array<i32>} : memref<512xi32, #tpu.memory_space<vmem>>, vector<16xi32>,
    %get3A_528 = vector.shape_cast %get3A_527 : vector<16xi32> to vector<16xi32>
    %shift_right_arithmetic3A_529 = arith.constant 3 : i32
    %shift_right_arithmetic3A_530 = vector.broadcast %shift_right_arithmetic3A_529 : i32 to vector<16xi32>
    %shift_right_arithmetic3A_531 = arith.shrsi %get3A_528, %shift_right_arithmetic3A_530 : vector<16xi32>
    %swap3A_532 = arith.constant 128 : index
    %swap3A_533 = tpu.vector_load %arg11[%swap3A_532] {strides = array<i32>} : memref<512xi32, #tpu.memory_space<vmem>>, vector<16xi32>,
    %swap3A_534 = vector.shape_cast %swap3A_533 : vector<16xi32> to vector<16xi32>
    %swap3A_535 = vector.shape_cast %shift_right_arithmetic3A_531 : vector<16xi32> to vector<16xi32>
    tpu.vector_store %arg11[%swap3A_532], %swap3A_535 {strides = array<i32>} : memref<512xi32, #tpu.memory_space<vmem>>, vector<16xi32>,
    %get3A_536 = arith.constant 144 : index
    %get3A_537 = tpu.vector_load %arg11[%get3A_536] {strides = array<i32>} : memref<512xi32, #tpu.memory_space<vmem>>, vector<16xi32>,
    %get3A_538 = vector.shape_cast %get3A_537 : vector<16xi32> to vector<16xi32>
    %shift_right_arithmetic3A_539 = arith.constant 3 : i32
    %shift_right_arithmetic3A_540 = vector.broadcast %shift_right_arithmetic3A_539 : i32 to vector<16xi32>
    %shift_right_arithmetic3A_541 = arith.shrsi %get3A_538, %shift_right_arithmetic3A_540 : vector<16xi32>
    %swap3A_542 = arith.constant 144 : index
    %swap3A_543 = tpu.vector_load %arg11[%swap3A_542] {strides = array<i32>} : memref<512xi32, #tpu.memory_space<vmem>>, vector<16xi32>,
    %swap3A_544 = vector.shape_cast %swap3A_543 : vector<16xi32> to vector<16xi32>
    %swap3A_545 = vector.shape_cast %shift_right_arithmetic3A_541 : vector<16xi32> to vector<16xi32>
    tpu.vector_store %arg11[%swap3A_542], %swap3A_545 {strides = array<i32>} : memref<512xi32, #tpu.memory_space<vmem>>, vector<16xi32>,
    %get3A_546 = arith.constant 160 : index
    %get3A_547 = tpu.vector_load %arg11[%get3A_546] {strides = array<i32>} : memref<512xi32, #tpu.memory_space<vmem>>, vector<16xi32>,
    %get3A_548 = vector.shape_cast %get3A_547 : vector<16xi32> to vector<16xi32>
    %shift_right_arithmetic3A_549 = arith.constant 3 : i32
    %shift_right_arithmetic3A_550 = vector.broadcast %shift_right_arithmetic3A_549 : i32 to vector<16xi32>
    %shift_right_arithmetic3A_551 = arith.shrsi %get3A_548, %shift_right_arithmetic3A_550 : vector<16xi32>
    %swap3A_552 = arith.constant 160 : index
    %swap3A_553 = tpu.vector_load %arg11[%swap3A_552] {strides = array<i32>} : memref<512xi32, #tpu.memory_space<vmem>>, vector<16xi32>,
    %swap3A_554 = vector.shape_cast %swap3A_553 : vector<16xi32> to vector<16xi32>
    %swap3A_555 = vector.shape_cast %shift_right_arithmetic3A_551 : vector<16xi32> to vector<16xi32>
    tpu.vector_store %arg11[%swap3A_552], %swap3A_555 {strides = array<i32>} : memref<512xi32, #tpu.memory_space<vmem>>, vector<16xi32>,
    %get3A_556 = arith.constant 176 : index
    %get3A_557 = tpu.vector_load %arg11[%get3A_556] {strides = array<i32>} : memref<512xi32, #tpu.memory_space<vmem>>, vector<16xi32>,
    %get3A_558 = vector.shape_cast %get3A_557 : vector<16xi32> to vector<16xi32>
    %shift_right_arithmetic3A_559 = arith.constant 3 : i32
    %shift_right_arithmetic3A_560 = vector.broadcast %shift_right_arithmetic3A_559 : i32 to vector<16xi32>
    %shift_right_arithmetic3A_561 = arith.shrsi %get3A_558, %shift_right_arithmetic3A_560 : vector<16xi32>
    %swap3A_562 = arith.constant 176 : index
    %swap3A_563 = tpu.vector_load %arg11[%swap3A_562] {strides = array<i32>} : memref<512xi32, #tpu.memory_space<vmem>>, vector<16xi32>,
    %swap3A_564 = vector.shape_cast %swap3A_563 : vector<16xi32> to vector<16xi32>
    %swap3A_565 = vector.shape_cast %shift_right_arithmetic3A_561 : vector<16xi32> to vector<16xi32>
    tpu.vector_store %arg11[%swap3A_562], %swap3A_565 {strides = array<i32>} : memref<512xi32, #tpu.memory_space<vmem>>, vector<16xi32>,
    %get3A_566 = arith.constant 192 : index
    %get3A_567 = tpu.vector_load %arg11[%get3A_566] {strides = array<i32>} : memref<512xi32, #tpu.memory_space<vmem>>, vector<16xi32>,
    %get3A_568 = vector.shape_cast %get3A_567 : vector<16xi32> to vector<16xi32>
    %shift_right_arithmetic3A_569 = arith.constant 3 : i32
    %shift_right_arithmetic3A_570 = vector.broadcast %shift_right_arithmetic3A_569 : i32 to vector<16xi32>
    %shift_right_arithmetic3A_571 = arith.shrsi %get3A_568, %shift_right_arithmetic3A_570 : vector<16xi32>
    %swap3A_572 = arith.constant 192 : index
    %swap3A_573 = tpu.vector_load %arg11[%swap3A_572] {strides = array<i32>} : memref<512xi32, #tpu.memory_space<vmem>>, vector<16xi32>,
    %swap3A_574 = vector.shape_cast %swap3A_573 : vector<16xi32> to vector<16xi32>
    %swap3A_575 = vector.shape_cast %shift_right_arithmetic3A_571 : vector<16xi32> to vector<16xi32>
    tpu.vector_store %arg11[%swap3A_572], %swap3A_575 {strides = array<i32>} : memref<512xi32, #tpu.memory_space<vmem>>, vector<16xi32>,
    %get3A_576 = arith.constant 208 : index
    %get3A_577 = tpu.vector_load %arg11[%get3A_576] {strides = array<i32>} : memref<512xi32, #tpu.memory_space<vmem>>, vector<16xi32>,
    %get3A_578 = vector.shape_cast %get3A_577 : vector<16xi32> to vector<16xi32>
    %shift_right_arithmetic3A_579 = arith.constant 3 : i32
    %shift_right_arithmetic3A_580 = vector.broadcast %shift_right_arithmetic3A_579 : i32 to vector<16xi32>
    %shift_right_arithmetic3A_581 = arith.shrsi %get3A_578, %shift_right_arithmetic3A_580 : vector<16xi32>
    %swap3A_582 = arith.constant 208 : index
    %swap3A_583 = tpu.vector_load %arg11[%swap3A_582] {strides = array<i32>} : memref<512xi32, #tpu.memory_space<vmem>>, vector<16xi32>,
    %swap3A_584 = vector.shape_cast %swap3A_583 : vector<16xi32> to vector<16xi32>
    %swap3A_585 = vector.shape_cast %shift_right_arithmetic3A_581 : vector<16xi32> to vector<16xi32>
    tpu.vector_store %arg11[%swap3A_582], %swap3A_585 {strides = array<i32>} : memref<512xi32, #tpu.memory_space<vmem>>, vector<16xi32>,
    %get3A_586 = arith.constant 224 : index
    %get3A_587 = tpu.vector_load %arg11[%get3A_586] {strides = array<i32>} : memref<512xi32, #tpu.memory_space<vmem>>, vector<16xi32>,
    %get3A_588 = vector.shape_cast %get3A_587 : vector<16xi32> to vector<16xi32>
    %shift_right_arithmetic3A_589 = arith.constant 3 : i32
    %shift_right_arithmetic3A_590 = vector.broadcast %shift_right_arithmetic3A_589 : i32 to vector<16xi32>
    %shift_right_arithmetic3A_591 = arith.shrsi %get3A_588, %shift_right_arithmetic3A_590 : vector<16xi32>
    %swap3A_592 = arith.constant 224 : index
    %swap3A_593 = tpu.vector_load %arg11[%swap3A_592] {strides = array<i32>} : memref<512xi32, #tpu.memory_space<vmem>>, vector<16xi32>,
    %swap3A_594 = vector.shape_cast %swap3A_593 : vector<16xi32> to vector<16xi32>
    %swap3A_595 = vector.shape_cast %shift_right_arithmetic3A_591 : vector<16xi32> to vector<16xi32>
    tpu.vector_store %arg11[%swap3A_592], %swap3A_595 {strides = array<i32>} : memref<512xi32, #tpu.memory_space<vmem>>, vector<16xi32>,
    %get3A_596 = arith.constant 240 : index
    %get3A_597 = tpu.vector_load %arg11[%get3A_596] {strides = array<i32>} : memref<512xi32, #tpu.memory_space<vmem>>, vector<16xi32>,
    %get3A_598 = vector.shape_cast %get3A_597 : vector<16xi32> to vector<16xi32>
    %shift_right_arithmetic3A_599 = arith.constant 3 : i32
    %shift_right_arithmetic3A_600 = vector.broadcast %shift_right_arithmetic3A_599 : i32 to vector<16xi32>
    %shift_right_arithmetic3A_601 = arith.shrsi %get3A_598, %shift_right_arithmetic3A_600 : vector<16xi32>
    %swap3A_602 = arith.constant 240 : index
    %swap3A_603 = tpu.vector_load %arg11[%swap3A_602] {strides = array<i32>} : memref<512xi32, #tpu.memory_space<vmem>>, vector<16xi32>,
    %swap3A_604 = vector.shape_cast %swap3A_603 : vector<16xi32> to vector<16xi32>
    %swap3A_605 = vector.shape_cast %shift_right_arithmetic3A_601 : vector<16xi32> to vector<16xi32>
    tpu.vector_store %arg11[%swap3A_602], %swap3A_605 {strides = array<i32>} : memref<512xi32, #tpu.memory_space<vmem>>, vector<16xi32>,
    %get3A_606 = arith.constant 256 : index
    %get3A_607 = tpu.vector_load %arg11[%get3A_606] {strides = array<i32>} : memref<512xi32, #tpu.memory_space<vmem>>, vector<16xi32>,
    %get3A_608 = vector.shape_cast %get3A_607 : vector<16xi32> to vector<16xi32>
    %shift_right_arithmetic3A_609 = arith.constant 3 : i32
    %shift_right_arithmetic3A_610 = vector.broadcast %shift_right_arithmetic3A_609 : i32 to vector<16xi32>
    %shift_right_arithmetic3A_611 = arith.shrsi %get3A_608, %shift_right_arithmetic3A_610 : vector<16xi32>
    %swap3A_612 = arith.constant 256 : index
    %swap3A_613 = tpu.vector_load %arg11[%swap3A_612] {strides = array<i32>} : memref<512xi32, #tpu.memory_space<vmem>>, vector<16xi32>,
    %swap3A_614 = vector.shape_cast %swap3A_613 : vector<16xi32> to vector<16xi32>
    %swap3A_615 = vector.shape_cast %shift_right_arithmetic3A_611 : vector<16xi32> to vector<16xi32>
    tpu.vector_store %arg11[%swap3A_612], %swap3A_615 {strides = array<i32>} : memref<512xi32, #tpu.memory_space<vmem>>, vector<16xi32>,
    %get3A_616 = arith.constant 272 : index
    %get3A_617 = tpu.vector_load %arg11[%get3A_616] {strides = array<i32>} : memref<512xi32, #tpu.memory_space<vmem>>, vector<16xi32>,
    %get3A_618 = vector.shape_cast %get3A_617 : vector<16xi32> to vector<16xi32>
    %shift_right_arithmetic3A_619 = arith.constant 3 : i32
    %shift_right_arithmetic3A_620 = vector.broadcast %shift_right_arithmetic3A_619 : i32 to vector<16xi32>
    %shift_right_arithmetic3A_621 = arith.shrsi %get3A_618, %shift_right_arithmetic3A_620 : vector<16xi32>
    %swap3A_622 = arith.constant 272 : index
    %swap3A_623 = tpu.vector_load %arg11[%swap3A_622] {strides = array<i32>} : memref<512xi32, #tpu.memory_space<vmem>>, vector<16xi32>,
    %swap3A_624 = vector.shape_cast %swap3A_623 : vector<16xi32> to vector<16xi32>
    %swap3A_625 = vector.shape_cast %shift_right_arithmetic3A_621 : vector<16xi32> to vector<16xi32>
    tpu.vector_store %arg11[%swap3A_622], %swap3A_625 {strides = array<i32>} : memref<512xi32, #tpu.memory_space<vmem>>, vector<16xi32>,
    %get3A_626 = arith.constant 288 : index
    %get3A_627 = tpu.vector_load %arg11[%get3A_626] {strides = array<i32>} : memref<512xi32, #tpu.memory_space<vmem>>, vector<16xi32>,
    %get3A_628 = vector.shape_cast %get3A_627 : vector<16xi32> to vector<16xi32>
    %shift_right_arithmetic3A_629 = arith.constant 3 : i32
    %shift_right_arithmetic3A_630 = vector.broadcast %shift_right_arithmetic3A_629 : i32 to vector<16xi32>
    %shift_right_arithmetic3A_631 = arith.shrsi %get3A_628, %shift_right_arithmetic3A_630 : vector<16xi32>
    %swap3A_632 = arith.constant 288 : index
    %swap3A_633 = tpu.vector_load %arg11[%swap3A_632] {strides = array<i32>} : memref<512xi32, #tpu.memory_space<vmem>>, vector<16xi32>,
    %swap3A_634 = vector.shape_cast %swap3A_633 : vector<16xi32> to vector<16xi32>
    %swap3A_635 = vector.shape_cast %shift_right_arithmetic3A_631 : vector<16xi32> to vector<16xi32>
    tpu.vector_store %arg11[%swap3A_632], %swap3A_635 {strides = array<i32>} : memref<512xi32, #tpu.memory_space<vmem>>, vector<16xi32>,
    %get3A_636 = arith.constant 304 : index
    %get3A_637 = tpu.vector_load %arg11[%get3A_636] {strides = array<i32>} : memref<512xi32, #tpu.memory_space<vmem>>, vector<16xi32>,
    %get3A_638 = vector.shape_cast %get3A_637 : vector<16xi32> to vector<16xi32>
    %shift_right_arithmetic3A_639 = arith.constant 3 : i32
    %shift_right_arithmetic3A_640 = vector.broadcast %shift_right_arithmetic3A_639 : i32 to vector<16xi32>
    %shift_right_arithmetic3A_641 = arith.shrsi %get3A_638, %shift_right_arithmetic3A_640 : vector<16xi32>
    %swap3A_642 = arith.constant 304 : index
    %swap3A_643 = tpu.vector_load %arg11[%swap3A_642] {strides = array<i32>} : memref<512xi32, #tpu.memory_space<vmem>>, vector<16xi32>,
    %swap3A_644 = vector.shape_cast %swap3A_643 : vector<16xi32> to vector<16xi32>
    %swap3A_645 = vector.shape_cast %shift_right_arithmetic3A_641 : vector<16xi32> to vector<16xi32>
    tpu.vector_store %arg11[%swap3A_642], %swap3A_645 {strides = array<i32>} : memref<512xi32, #tpu.memory_space<vmem>>, vector<16xi32>,
    %get3A_646 = arith.constant 320 : index
    %get3A_647 = tpu.vector_load %arg11[%get3A_646] {strides = array<i32>} : memref<512xi32, #tpu.memory_space<vmem>>, vector<16xi32>,
    %get3A_648 = vector.shape_cast %get3A_647 : vector<16xi32> to vector<16xi32>
    %shift_right_arithmetic3A_649 = arith.constant 3 : i32
    %shift_right_arithmetic3A_650 = vector.broadcast %shift_right_arithmetic3A_649 : i32 to vector<16xi32>
    %shift_right_arithmetic3A_651 = arith.shrsi %get3A_648, %shift_right_arithmetic3A_650 : vector<16xi32>
    %swap3A_652 = arith.constant 320 : index
    %swap3A_653 = tpu.vector_load %arg11[%swap3A_652] {strides = array<i32>} : memref<512xi32, #tpu.memory_space<vmem>>, vector<16xi32>,
    %swap3A_654 = vector.shape_cast %swap3A_653 : vector<16xi32> to vector<16xi32>
    %swap3A_655 = vector.shape_cast %shift_right_arithmetic3A_651 : vector<16xi32> to vector<16xi32>
    tpu.vector_store %arg11[%swap3A_652], %swap3A_655 {strides = array<i32>} : memref<512xi32, #tpu.memory_space<vmem>>, vector<16xi32>,
    %get3A_656 = arith.constant 336 : index
    %get3A_657 = tpu.vector_load %arg11[%get3A_656] {strides = array<i32>} : memref<512xi32, #tpu.memory_space<vmem>>, vector<16xi32>,
    %get3A_658 = vector.shape_cast %get3A_657 : vector<16xi32> to vector<16xi32>
    %shift_right_arithmetic3A_659 = arith.constant 3 : i32
    %shift_right_arithmetic3A_660 = vector.broadcast %shift_right_arithmetic3A_659 : i32 to vector<16xi32>
    %shift_right_arithmetic3A_661 = arith.shrsi %get3A_658, %shift_right_arithmetic3A_660 : vector<16xi32>
    %swap3A_662 = arith.constant 336 : index
    %swap3A_663 = tpu.vector_load %arg11[%swap3A_662] {strides = array<i32>} : memref<512xi32, #tpu.memory_space<vmem>>, vector<16xi32>,
    %swap3A_664 = vector.shape_cast %swap3A_663 : vector<16xi32> to vector<16xi32>
    %swap3A_665 = vector.shape_cast %shift_right_arithmetic3A_661 : vector<16xi32> to vector<16xi32>
    tpu.vector_store %arg11[%swap3A_662], %swap3A_665 {strides = array<i32>} : memref<512xi32, #tpu.memory_space<vmem>>, vector<16xi32>,
    %get3A_666 = arith.constant 352 : index
    %get3A_667 = tpu.vector_load %arg11[%get3A_666] {strides = array<i32>} : memref<512xi32, #tpu.memory_space<vmem>>, vector<16xi32>,
    %get3A_668 = vector.shape_cast %get3A_667 : vector<16xi32> to vector<16xi32>
    %shift_right_arithmetic3A_669 = arith.constant 3 : i32
    %shift_right_arithmetic3A_670 = vector.broadcast %shift_right_arithmetic3A_669 : i32 to vector<16xi32>
    %shift_right_arithmetic3A_671 = arith.shrsi %get3A_668, %shift_right_arithmetic3A_670 : vector<16xi32>
    %swap3A_672 = arith.constant 352 : index
    %swap3A_673 = tpu.vector_load %arg11[%swap3A_672] {strides = array<i32>} : memref<512xi32, #tpu.memory_space<vmem>>, vector<16xi32>,
    %swap3A_674 = vector.shape_cast %swap3A_673 : vector<16xi32> to vector<16xi32>
    %swap3A_675 = vector.shape_cast %shift_right_arithmetic3A_671 : vector<16xi32> to vector<16xi32>
    tpu.vector_store %arg11[%swap3A_672], %swap3A_675 {strides = array<i32>} : memref<512xi32, #tpu.memory_space<vmem>>, vector<16xi32>,
    %get3A_676 = arith.constant 368 : index
    %get3A_677 = tpu.vector_load %arg11[%get3A_676] {strides = array<i32>} : memref<512xi32, #tpu.memory_space<vmem>>, vector<16xi32>,
    %get3A_678 = vector.shape_cast %get3A_677 : vector<16xi32> to vector<16xi32>
    %shift_right_arithmetic3A_679 = arith.constant 3 : i32
    %shift_right_arithmetic3A_680 = vector.broadcast %shift_right_arithmetic3A_679 : i32 to vector<16xi32>
    %shift_right_arithmetic3A_681 = arith.shrsi %get3A_678, %shift_right_arithmetic3A_680 : vector<16xi32>
    %swap3A_682 = arith.constant 368 : index
    %swap3A_683 = tpu.vector_load %arg11[%swap3A_682] {strides = array<i32>} : memref<512xi32, #tpu.memory_space<vmem>>, vector<16xi32>,
    %swap3A_684 = vector.shape_cast %swap3A_683 : vector<16xi32> to vector<16xi32>
    %swap3A_685 = vector.shape_cast %shift_right_arithmetic3A_681 : vector<16xi32> to vector<16xi32>
    tpu.vector_store %arg11[%swap3A_682], %swap3A_685 {strides = array<i32>} : memref<512xi32, #tpu.memory_space<vmem>>, vector<16xi32>,
    %get3A_686 = arith.constant 384 : index
    %get3A_687 = tpu.vector_load %arg11[%get3A_686] {strides = array<i32>} : memref<512xi32, #tpu.memory_space<vmem>>, vector<16xi32>,
    %get3A_688 = vector.shape_cast %get3A_687 : vector<16xi32> to vector<16xi32>
    %shift_right_arithmetic3A_689 = arith.constant 3 : i32
    %shift_right_arithmetic3A_690 = vector.broadcast %shift_right_arithmetic3A_689 : i32 to vector<16xi32>
    %shift_right_arithmetic3A_691 = arith.shrsi %get3A_688, %shift_right_arithmetic3A_690 : vector<16xi32>
    %swap3A_692 = arith.constant 384 : index
    %swap3A_693 = tpu.vector_load %arg11[%swap3A_692] {strides = array<i32>} : memref<512xi32, #tpu.memory_space<vmem>>, vector<16xi32>,
    %swap3A_694 = vector.shape_cast %swap3A_693 : vector<16xi32> to vector<16xi32>
    %swap3A_695 = vector.shape_cast %shift_right_arithmetic3A_691 : vector<16xi32> to vector<16xi32>
    tpu.vector_store %arg11[%swap3A_692], %swap3A_695 {strides = array<i32>} : memref<512xi32, #tpu.memory_space<vmem>>, vector<16xi32>,
    %get3A_696 = arith.constant 400 : index
    %get3A_697 = tpu.vector_load %arg11[%get3A_696] {strides = array<i32>} : memref<512xi32, #tpu.memory_space<vmem>>, vector<16xi32>,
    %get3A_698 = vector.shape_cast %get3A_697 : vector<16xi32> to vector<16xi32>
    %shift_right_arithmetic3A_699 = arith.constant 3 : i32
    %shift_right_arithmetic3A_700 = vector.broadcast %shift_right_arithmetic3A_699 : i32 to vector<16xi32>
    %shift_right_arithmetic3A_701 = arith.shrsi %get3A_698, %shift_right_arithmetic3A_700 : vector<16xi32>
    %swap3A_702 = arith.constant 400 : index
    %swap3A_703 = tpu.vector_load %arg11[%swap3A_702] {strides = array<i32>} : memref<512xi32, #tpu.memory_space<vmem>>, vector<16xi32>,
    %swap3A_704 = vector.shape_cast %swap3A_703 : vector<16xi32> to vector<16xi32>
    %swap3A_705 = vector.shape_cast %shift_right_arithmetic3A_701 : vector<16xi32> to vector<16xi32>
    tpu.vector_store %arg11[%swap3A_702], %swap3A_705 {strides = array<i32>} : memref<512xi32, #tpu.memory_space<vmem>>, vector<16xi32>,
    %get3A_706 = arith.constant 416 : index
    %get3A_707 = tpu.vector_load %arg11[%get3A_706] {strides = array<i32>} : memref<512xi32, #tpu.memory_space<vmem>>, vector<16xi32>,
    %get3A_708 = vector.shape_cast %get3A_707 : vector<16xi32> to vector<16xi32>
    %shift_right_arithmetic3A_709 = arith.constant 3 : i32
    %shift_right_arithmetic3A_710 = vector.broadcast %shift_right_arithmetic3A_709 : i32 to vector<16xi32>
    %shift_right_arithmetic3A_711 = arith.shrsi %get3A_708, %shift_right_arithmetic3A_710 : vector<16xi32>
    %swap3A_712 = arith.constant 416 : index
    %swap3A_713 = tpu.vector_load %arg11[%swap3A_712] {strides = array<i32>} : memref<512xi32, #tpu.memory_space<vmem>>, vector<16xi32>,
    %swap3A_714 = vector.shape_cast %swap3A_713 : vector<16xi32> to vector<16xi32>
    %swap3A_715 = vector.shape_cast %shift_right_arithmetic3A_711 : vector<16xi32> to vector<16xi32>
    tpu.vector_store %arg11[%swap3A_712], %swap3A_715 {strides = array<i32>} : memref<512xi32, #tpu.memory_space<vmem>>, vector<16xi32>,
    %get3A_716 = arith.constant 432 : index
    %get3A_717 = tpu.vector_load %arg11[%get3A_716] {strides = array<i32>} : memref<512xi32, #tpu.memory_space<vmem>>, vector<16xi32>,
    %get3A_718 = vector.shape_cast %get3A_717 : vector<16xi32> to vector<16xi32>
    %shift_right_arithmetic3A_719 = arith.constant 3 : i32
    %shift_right_arithmetic3A_720 = vector.broadcast %shift_right_arithmetic3A_719 : i32 to vector<16xi32>
    %shift_right_arithmetic3A_721 = arith.shrsi %get3A_718, %shift_right_arithmetic3A_720 : vector<16xi32>
    %swap3A_722 = arith.constant 432 : index
    %swap3A_723 = tpu.vector_load %arg11[%swap3A_722] {strides = array<i32>} : memref<512xi32, #tpu.memory_space<vmem>>, vector<16xi32>,
    %swap3A_724 = vector.shape_cast %swap3A_723 : vector<16xi32> to vector<16xi32>
    %swap3A_725 = vector.shape_cast %shift_right_arithmetic3A_721 : vector<16xi32> to vector<16xi32>
    tpu.vector_store %arg11[%swap3A_722], %swap3A_725 {strides = array<i32>} : memref<512xi32, #tpu.memory_space<vmem>>, vector<16xi32>,
    %get3A_726 = arith.constant 448 : index
    %get3A_727 = tpu.vector_load %arg11[%get3A_726] {strides = array<i32>} : memref<512xi32, #tpu.memory_space<vmem>>, vector<16xi32>,
    %get3A_728 = vector.shape_cast %get3A_727 : vector<16xi32> to vector<16xi32>
    %shift_right_arithmetic3A_729 = arith.constant 3 : i32
    %shift_right_arithmetic3A_730 = vector.broadcast %shift_right_arithmetic3A_729 : i32 to vector<16xi32>
    %shift_right_arithmetic3A_731 = arith.shrsi %get3A_728, %shift_right_arithmetic3A_730 : vector<16xi32>
    %swap3A_732 = arith.constant 448 : index
    %swap3A_733 = tpu.vector_load %arg11[%swap3A_732] {strides = array<i32>} : memref<512xi32, #tpu.memory_space<vmem>>, vector<16xi32>,
    %swap3A_734 = vector.shape_cast %swap3A_733 : vector<16xi32> to vector<16xi32>
    %swap3A_735 = vector.shape_cast %shift_right_arithmetic3A_731 : vector<16xi32> to vector<16xi32>
    tpu.vector_store %arg11[%swap3A_732], %swap3A_735 {strides = array<i32>} : memref<512xi32, #tpu.memory_space<vmem>>, vector<16xi32>,
    %get3A_736 = arith.constant 464 : index
    %get3A_737 = tpu.vector_load %arg11[%get3A_736] {strides = array<i32>} : memref<512xi32, #tpu.memory_space<vmem>>, vector<16xi32>,
    %get3A_738 = vector.shape_cast %get3A_737 : vector<16xi32> to vector<16xi32>
    %shift_right_arithmetic3A_739 = arith.constant 3 : i32
    %shift_right_arithmetic3A_740 = vector.broadcast %shift_right_arithmetic3A_739 : i32 to vector<16xi32>
    %shift_right_arithmetic3A_741 = arith.shrsi %get3A_738, %shift_right_arithmetic3A_740 : vector<16xi32>
    %swap3A_742 = arith.constant 464 : index
    %swap3A_743 = tpu.vector_load %arg11[%swap3A_742] {strides = array<i32>} : memref<512xi32, #tpu.memory_space<vmem>>, vector<16xi32>,
    %swap3A_744 = vector.shape_cast %swap3A_743 : vector<16xi32> to vector<16xi32>
    %swap3A_745 = vector.shape_cast %shift_right_arithmetic3A_741 : vector<16xi32> to vector<16xi32>
    tpu.vector_store %arg11[%swap3A_742], %swap3A_745 {strides = array<i32>} : memref<512xi32, #tpu.memory_space<vmem>>, vector<16xi32>,
    %get3A_746 = arith.constant 480 : index
    %get3A_747 = tpu.vector_load %arg11[%get3A_746] {strides = array<i32>} : memref<512xi32, #tpu.memory_space<vmem>>, vector<16xi32>,
    %get3A_748 = vector.shape_cast %get3A_747 : vector<16xi32> to vector<16xi32>
    %shift_right_arithmetic3A_749 = arith.constant 3 : i32
    %shift_right_arithmetic3A_750 = vector.broadcast %shift_right_arithmetic3A_749 : i32 to vector<16xi32>
    %shift_right_arithmetic3A_751 = arith.shrsi %get3A_748, %shift_right_arithmetic3A_750 : vector<16xi32>
    %swap3A_752 = arith.constant 480 : index
    %swap3A_753 = tpu.vector_load %arg11[%swap3A_752] {strides = array<i32>} : memref<512xi32, #tpu.memory_space<vmem>>, vector<16xi32>,
    %swap3A_754 = vector.shape_cast %swap3A_753 : vector<16xi32> to vector<16xi32>
    %swap3A_755 = vector.shape_cast %shift_right_arithmetic3A_751 : vector<16xi32> to vector<16xi32>
    tpu.vector_store %arg11[%swap3A_752], %swap3A_755 {strides = array<i32>} : memref<512xi32, #tpu.memory_space<vmem>>, vector<16xi32>,
    %get3A_756 = arith.constant 496 : index
    %get3A_757 = tpu.vector_load %arg11[%get3A_756] {strides = array<i32>} : memref<512xi32, #tpu.memory_space<vmem>>, vector<16xi32>,
    %get3A_758 = vector.shape_cast %get3A_757 : vector<16xi32> to vector<16xi32>
    %shift_right_arithmetic3A_759 = arith.constant 3 : i32
    %shift_right_arithmetic3A_760 = vector.broadcast %shift_right_arithmetic3A_759 : i32 to vector<16xi32>
    %shift_right_arithmetic3A_761 = arith.shrsi %get3A_758, %shift_right_arithmetic3A_760 : vector<16xi32>
    %swap3A_762 = arith.constant 496 : index
    %swap3A_763 = tpu.vector_load %arg11[%swap3A_762] {strides = array<i32>} : memref<512xi32, #tpu.memory_space<vmem>>, vector<16xi32>,
    %swap3A_764 = vector.shape_cast %swap3A_763 : vector<16xi32> to vector<16xi32>
    %swap3A_765 = vector.shape_cast %shift_right_arithmetic3A_761 : vector<16xi32> to vector<16xi32>
    tpu.vector_store %arg11[%swap3A_762], %swap3A_765 {strides = array<i32>} : memref<512xi32, #tpu.memory_space<vmem>>, vector<16xi32>,
    %dma_start3A_766 = arith.constant 0 : i32
    %dma_start3A_767 = arith.constant 0 : i32
    %dma_start3A_768 = tpu.memref_slice %arg12[%dma_start3A_766, %dma_start3A_767] : memref<512x128xf32, #tpu.memory_space<vmem>> -> memref<64x128xf32, #tpu.memory_space<vmem>>
    %dma_start3A_769 = arith.constant 0 : i32
    %dma_start3A_770 = tpu.memref_slice %arg11[%dma_start3A_769] : memref<512xi32, #tpu.memory_space<vmem>> -> memref<64xi32, #tpu.memory_space<vmem>>
    %dma_start3A_771 = arith.constant 0 : i32
    %dma_start3A_772 = arith.constant 0 : i32
    %dma_start3A_773 = tpu.memref_slice %arg6[%dma_start3A_771, %dma_start3A_772] : memref<12500x128xf32, #tpu.memory_space<hbm>> -> memref<12500x128xf32, #tpu.memory_space<hbm>>
    tpu.enqueue_indirect_dma source(%dma_start3A_773 : memref<12500x128xf32, #tpu.memory_space<hbm>>) target(%dma_start3A_768 : memref<64x128xf32, #tpu.memory_space<vmem>>) offsets(%dma_start3A_770 : memref<64xi32, #tpu.memory_space<vmem>>) semaphore(%arg13 : memref<!tpu.dma_semaphore, #tpu.memory_space<semaphore_mem>>)
    %dma_start3A_774 = arith.constant 64 : i32
    %dma_start3A_775 = arith.constant 0 : i32
    %dma_start3A_776 = tpu.memref_slice %arg12[%dma_start3A_774, %dma_start3A_775] : memref<512x128xf32, #tpu.memory_space<vmem>> -> memref<64x128xf32, #tpu.memory_space<vmem>>
    %dma_start3A_777 = arith.constant 64 : i32
    %dma_start3A_778 = tpu.memref_slice %arg11[%dma_start3A_777] : memref<512xi32, #tpu.memory_space<vmem>> -> memref<64xi32, #tpu.memory_space<vmem>>
    %dma_start3A_779 = arith.constant 0 : i32
    %dma_start3A_780 = arith.constant 0 : i32
    %dma_start3A_781 = tpu.memref_slice %arg6[%dma_start3A_779, %dma_start3A_780] : memref<12500x128xf32, #tpu.memory_space<hbm>> -> memref<12500x128xf32, #tpu.memory_space<hbm>>
    tpu.enqueue_indirect_dma source(%dma_start3A_781 : memref<12500x128xf32, #tpu.memory_space<hbm>>) target(%dma_start3A_776 : memref<64x128xf32, #tpu.memory_space<vmem>>) offsets(%dma_start3A_778 : memref<64xi32, #tpu.memory_space<vmem>>) semaphore(%arg13 : memref<!tpu.dma_semaphore, #tpu.memory_space<semaphore_mem>>)
    %dma_start3A_782 = arith.constant 128 : i32
    %dma_start3A_783 = arith.constant 0 : i32
    %dma_start3A_784 = tpu.memref_slice %arg12[%dma_start3A_782, %dma_start3A_783] : memref<512x128xf32, #tpu.memory_space<vmem>> -> memref<64x128xf32, #tpu.memory_space<vmem>>
    %dma_start3A_785 = arith.constant 128 : i32
    %dma_start3A_786 = tpu.memref_slice %arg11[%dma_start3A_785] : memref<512xi32, #tpu.memory_space<vmem>> -> memref<64xi32, #tpu.memory_space<vmem>>
    %dma_start3A_787 = arith.constant 0 : i32
    %dma_start3A_788 = arith.constant 0 : i32
    %dma_start3A_789 = tpu.memref_slice %arg6[%dma_start3A_787, %dma_start3A_788] : memref<12500x128xf32, #tpu.memory_space<hbm>> -> memref<12500x128xf32, #tpu.memory_space<hbm>>
    tpu.enqueue_indirect_dma source(%dma_start3A_789 : memref<12500x128xf32, #tpu.memory_space<hbm>>) target(%dma_start3A_784 : memref<64x128xf32, #tpu.memory_space<vmem>>) offsets(%dma_start3A_786 : memref<64xi32, #tpu.memory_space<vmem>>) semaphore(%arg13 : memref<!tpu.dma_semaphore, #tpu.memory_space<semaphore_mem>>)
    %dma_start3A_790 = arith.constant 192 : i32
    %dma_start3A_791 = arith.constant 0 : i32
    %dma_start3A_792 = tpu.memref_slice %arg12[%dma_start3A_790, %dma_start3A_791] : memref<512x128xf32, #tpu.memory_space<vmem>> -> memref<64x128xf32, #tpu.memory_space<vmem>>
    %dma_start3A_793 = arith.constant 192 : i32
    %dma_start3A_794 = tpu.memref_slice %arg11[%dma_start3A_793] : memref<512xi32, #tpu.memory_space<vmem>> -> memref<64xi32, #tpu.memory_space<vmem>>
    %dma_start3A_795 = arith.constant 0 : i32
    %dma_start3A_796 = arith.constant 0 : i32
    %dma_start3A_797 = tpu.memref_slice %arg6[%dma_start3A_795, %dma_start3A_796] : memref<12500x128xf32, #tpu.memory_space<hbm>> -> memref<12500x128xf32, #tpu.memory_space<hbm>>
    tpu.enqueue_indirect_dma source(%dma_start3A_797 : memref<12500x128xf32, #tpu.memory_space<hbm>>) target(%dma_start3A_792 : memref<64x128xf32, #tpu.memory_space<vmem>>) offsets(%dma_start3A_794 : memref<64xi32, #tpu.memory_space<vmem>>) semaphore(%arg13 : memref<!tpu.dma_semaphore, #tpu.memory_space<semaphore_mem>>)
    %dma_start3A_798 = arith.constant 256 : i32
    %dma_start3A_799 = arith.constant 0 : i32
    %dma_start3A_800 = tpu.memref_slice %arg12[%dma_start3A_798, %dma_start3A_799] : memref<512x128xf32, #tpu.memory_space<vmem>> -> memref<64x128xf32, #tpu.memory_space<vmem>>
    %dma_start3A_801 = arith.constant 256 : i32
    %dma_start3A_802 = tpu.memref_slice %arg11[%dma_start3A_801] : memref<512xi32, #tpu.memory_space<vmem>> -> memref<64xi32, #tpu.memory_space<vmem>>
    %dma_start3A_803 = arith.constant 0 : i32
    %dma_start3A_804 = arith.constant 0 : i32
    %dma_start3A_805 = tpu.memref_slice %arg6[%dma_start3A_803, %dma_start3A_804] : memref<12500x128xf32, #tpu.memory_space<hbm>> -> memref<12500x128xf32, #tpu.memory_space<hbm>>
    tpu.enqueue_indirect_dma source(%dma_start3A_805 : memref<12500x128xf32, #tpu.memory_space<hbm>>) target(%dma_start3A_800 : memref<64x128xf32, #tpu.memory_space<vmem>>) offsets(%dma_start3A_802 : memref<64xi32, #tpu.memory_space<vmem>>) semaphore(%arg13 : memref<!tpu.dma_semaphore, #tpu.memory_space<semaphore_mem>>)
    %dma_start3A_806 = arith.constant 320 : i32
    %dma_start3A_807 = arith.constant 0 : i32
    %dma_start3A_808 = tpu.memref_slice %arg12[%dma_start3A_806, %dma_start3A_807] : memref<512x128xf32, #tpu.memory_space<vmem>> -> memref<64x128xf32, #tpu.memory_space<vmem>>
    %dma_start3A_809 = arith.constant 320 : i32
    %dma_start3A_810 = tpu.memref_slice %arg11[%dma_start3A_809] : memref<512xi32, #tpu.memory_space<vmem>> -> memref<64xi32, #tpu.memory_space<vmem>>
    %dma_start3A_811 = arith.constant 0 : i32
    %dma_start3A_812 = arith.constant 0 : i32
    %dma_start3A_813 = tpu.memref_slice %arg6[%dma_start3A_811, %dma_start3A_812] : memref<12500x128xf32, #tpu.memory_space<hbm>> -> memref<12500x128xf32, #tpu.memory_space<hbm>>
    tpu.enqueue_indirect_dma source(%dma_start3A_813 : memref<12500x128xf32, #tpu.memory_space<hbm>>) target(%dma_start3A_808 : memref<64x128xf32, #tpu.memory_space<vmem>>) offsets(%dma_start3A_810 : memref<64xi32, #tpu.memory_space<vmem>>) semaphore(%arg13 : memref<!tpu.dma_semaphore, #tpu.memory_space<semaphore_mem>>)
    %dma_start3A_814 = arith.constant 384 : i32
    %dma_start3A_815 = arith.constant 0 : i32
    %dma_start3A_816 = tpu.memref_slice %arg12[%dma_start3A_814, %dma_start3A_815] : memref<512x128xf32, #tpu.memory_space<vmem>> -> memref<64x128xf32, #tpu.memory_space<vmem>>
    %dma_start3A_817 = arith.constant 384 : i32
    %dma_start3A_818 = tpu.memref_slice %arg11[%dma_start3A_817] : memref<512xi32, #tpu.memory_space<vmem>> -> memref<64xi32, #tpu.memory_space<vmem>>
    %dma_start3A_819 = arith.constant 0 : i32
    %dma_start3A_820 = arith.constant 0 : i32
    %dma_start3A_821 = tpu.memref_slice %arg6[%dma_start3A_819, %dma_start3A_820] : memref<12500x128xf32, #tpu.memory_space<hbm>> -> memref<12500x128xf32, #tpu.memory_space<hbm>>
    tpu.enqueue_indirect_dma source(%dma_start3A_821 : memref<12500x128xf32, #tpu.memory_space<hbm>>) target(%dma_start3A_816 : memref<64x128xf32, #tpu.memory_space<vmem>>) offsets(%dma_start3A_818 : memref<64xi32, #tpu.memory_space<vmem>>) semaphore(%arg13 : memref<!tpu.dma_semaphore, #tpu.memory_space<semaphore_mem>>)
    %dma_start3A_822 = arith.constant 448 : i32
    %dma_start3A_823 = arith.constant 0 : i32
    %dma_start3A_824 = tpu.memref_slice %arg12[%dma_start3A_822, %dma_start3A_823] : memref<512x128xf32, #tpu.memory_space<vmem>> -> memref<64x128xf32, #tpu.memory_space<vmem>>
    %dma_start3A_825 = arith.constant 448 : i32
    %dma_start3A_826 = tpu.memref_slice %arg11[%dma_start3A_825] : memref<512xi32, #tpu.memory_space<vmem>> -> memref<64xi32, #tpu.memory_space<vmem>>
    %dma_start3A_827 = arith.constant 0 : i32
    %dma_start3A_828 = arith.constant 0 : i32
    %dma_start3A_829 = tpu.memref_slice %arg6[%dma_start3A_827, %dma_start3A_828] : memref<12500x128xf32, #tpu.memory_space<hbm>> -> memref<12500x128xf32, #tpu.memory_space<hbm>>
    tpu.enqueue_indirect_dma source(%dma_start3A_829 : memref<12500x128xf32, #tpu.memory_space<hbm>>) target(%dma_start3A_824 : memref<64x128xf32, #tpu.memory_space<vmem>>) offsets(%dma_start3A_826 : memref<64xi32, #tpu.memory_space<vmem>>) semaphore(%arg13 : memref<!tpu.dma_semaphore, #tpu.memory_space<semaphore_mem>>)
    %dma_wait3A_830 = arith.constant 0 : i32
    %dma_wait3A_831 = arith.constant 0 : i32
    %dma_wait3A_832 = tpu.memref_slice %arg12[%dma_wait3A_830, %dma_wait3A_831] : memref<512x128xf32, #tpu.memory_space<vmem>> -> memref<64x128xf32, #tpu.memory_space<vmem>>
    %dma_wait3A_833 = arith.constant 0 : i32
    %dma_wait3A_834 = tpu.memref_slice %arg11[%dma_wait3A_833] : memref<512xi32, #tpu.memory_space<vmem>> -> memref<64xi32, #tpu.memory_space<vmem>>
    %dma_wait3A_835 = arith.constant 0 : i32
    %dma_wait3A_836 = arith.constant 0 : i32
    %dma_wait3A_837 = tpu.memref_slice %arg6[%dma_wait3A_835, %dma_wait3A_836] : memref<12500x128xf32, #tpu.memory_space<hbm>> -> memref<12500x128xf32, #tpu.memory_space<hbm>>
    tpu.wait_indirect_dma semaphore(%arg13 : memref<!tpu.dma_semaphore, #tpu.memory_space<semaphore_mem>>) src(%dma_wait3A_837 : memref<12500x128xf32, #tpu.memory_space<hbm>>) dst(%dma_wait3A_832 : memref<64x128xf32, #tpu.memory_space<vmem>>)
    %dma_wait3A_838 = arith.constant 64 : i32
    %dma_wait3A_839 = arith.constant 0 : i32
    %dma_wait3A_840 = tpu.memref_slice %arg12[%dma_wait3A_838, %dma_wait3A_839] : memref<512x128xf32, #tpu.memory_space<vmem>> -> memref<64x128xf32, #tpu.memory_space<vmem>>
    %dma_wait3A_841 = arith.constant 64 : i32
    %dma_wait3A_842 = tpu.memref_slice %arg11[%dma_wait3A_841] : memref<512xi32, #tpu.memory_space<vmem>> -> memref<64xi32, #tpu.memory_space<vmem>>
    %dma_wait3A_843 = arith.constant 0 : i32
    %dma_wait3A_844 = arith.constant 0 : i32
    %dma_wait3A_845 = tpu.memref_slice %arg6[%dma_wait3A_843, %dma_wait3A_844] : memref<12500x128xf32, #tpu.memory_space<hbm>> -> memref<12500x128xf32, #tpu.memory_space<hbm>>
    tpu.wait_indirect_dma semaphore(%arg13 : memref<!tpu.dma_semaphore, #tpu.memory_space<semaphore_mem>>) src(%dma_wait3A_845 : memref<12500x128xf32, #tpu.memory_space<hbm>>) dst(%dma_wait3A_840 : memref<64x128xf32, #tpu.memory_space<vmem>>)
    %dma_wait3A_846 = arith.constant 128 : i32
    %dma_wait3A_847 = arith.constant 0 : i32
    %dma_wait3A_848 = tpu.memref_slice %arg12[%dma_wait3A_846, %dma_wait3A_847] : memref<512x128xf32, #tpu.memory_space<vmem>> -> memref<64x128xf32, #tpu.memory_space<vmem>>
    %dma_wait3A_849 = arith.constant 128 : i32
    %dma_wait3A_850 = tpu.memref_slice %arg11[%dma_wait3A_849] : memref<512xi32, #tpu.memory_space<vmem>> -> memref<64xi32, #tpu.memory_space<vmem>>
    %dma_wait3A_851 = arith.constant 0 : i32
    %dma_wait3A_852 = arith.constant 0 : i32
    %dma_wait3A_853 = tpu.memref_slice %arg6[%dma_wait3A_851, %dma_wait3A_852] : memref<12500x128xf32, #tpu.memory_space<hbm>> -> memref<12500x128xf32, #tpu.memory_space<hbm>>
    tpu.wait_indirect_dma semaphore(%arg13 : memref<!tpu.dma_semaphore, #tpu.memory_space<semaphore_mem>>) src(%dma_wait3A_853 : memref<12500x128xf32, #tpu.memory_space<hbm>>) dst(%dma_wait3A_848 : memref<64x128xf32, #tpu.memory_space<vmem>>)
    %dma_wait3A_854 = arith.constant 192 : i32
    %dma_wait3A_855 = arith.constant 0 : i32
    %dma_wait3A_856 = tpu.memref_slice %arg12[%dma_wait3A_854, %dma_wait3A_855] : memref<512x128xf32, #tpu.memory_space<vmem>> -> memref<64x128xf32, #tpu.memory_space<vmem>>
    %dma_wait3A_857 = arith.constant 192 : i32
    %dma_wait3A_858 = tpu.memref_slice %arg11[%dma_wait3A_857] : memref<512xi32, #tpu.memory_space<vmem>> -> memref<64xi32, #tpu.memory_space<vmem>>
    %dma_wait3A_859 = arith.constant 0 : i32
    %dma_wait3A_860 = arith.constant 0 : i32
    %dma_wait3A_861 = tpu.memref_slice %arg6[%dma_wait3A_859, %dma_wait3A_860] : memref<12500x128xf32, #tpu.memory_space<hbm>> -> memref<12500x128xf32, #tpu.memory_space<hbm>>
    tpu.wait_indirect_dma semaphore(%arg13 : memref<!tpu.dma_semaphore, #tpu.memory_space<semaphore_mem>>) src(%dma_wait3A_861 : memref<12500x128xf32, #tpu.memory_space<hbm>>) dst(%dma_wait3A_856 : memref<64x128xf32, #tpu.memory_space<vmem>>)
    %dma_wait3A_862 = arith.constant 256 : i32
    %dma_wait3A_863 = arith.constant 0 : i32
    %dma_wait3A_864 = tpu.memref_slice %arg12[%dma_wait3A_862, %dma_wait3A_863] : memref<512x128xf32, #tpu.memory_space<vmem>> -> memref<64x128xf32, #tpu.memory_space<vmem>>
    %dma_wait3A_865 = arith.constant 256 : i32
    %dma_wait3A_866 = tpu.memref_slice %arg11[%dma_wait3A_865] : memref<512xi32, #tpu.memory_space<vmem>> -> memref<64xi32, #tpu.memory_space<vmem>>
    %dma_wait3A_867 = arith.constant 0 : i32
    %dma_wait3A_868 = arith.constant 0 : i32
    %dma_wait3A_869 = tpu.memref_slice %arg6[%dma_wait3A_867, %dma_wait3A_868] : memref<12500x128xf32, #tpu.memory_space<hbm>> -> memref<12500x128xf32, #tpu.memory_space<hbm>>
    tpu.wait_indirect_dma semaphore(%arg13 : memref<!tpu.dma_semaphore, #tpu.memory_space<semaphore_mem>>) src(%dma_wait3A_869 : memref<12500x128xf32, #tpu.memory_space<hbm>>) dst(%dma_wait3A_864 : memref<64x128xf32, #tpu.memory_space<vmem>>)
    %dma_wait3A_870 = arith.constant 320 : i32
    %dma_wait3A_871 = arith.constant 0 : i32
    %dma_wait3A_872 = tpu.memref_slice %arg12[%dma_wait3A_870, %dma_wait3A_871] : memref<512x128xf32, #tpu.memory_space<vmem>> -> memref<64x128xf32, #tpu.memory_space<vmem>>
    %dma_wait3A_873 = arith.constant 320 : i32
    %dma_wait3A_874 = tpu.memref_slice %arg11[%dma_wait3A_873] : memref<512xi32, #tpu.memory_space<vmem>> -> memref<64xi32, #tpu.memory_space<vmem>>
    %dma_wait3A_875 = arith.constant 0 : i32
    %dma_wait3A_876 = arith.constant 0 : i32
    %dma_wait3A_877 = tpu.memref_slice %arg6[%dma_wait3A_875, %dma_wait3A_876] : memref<12500x128xf32, #tpu.memory_space<hbm>> -> memref<12500x128xf32, #tpu.memory_space<hbm>>
    tpu.wait_indirect_dma semaphore(%arg13 : memref<!tpu.dma_semaphore, #tpu.memory_space<semaphore_mem>>) src(%dma_wait3A_877 : memref<12500x128xf32, #tpu.memory_space<hbm>>) dst(%dma_wait3A_872 : memref<64x128xf32, #tpu.memory_space<vmem>>)
    %dma_wait3A_878 = arith.constant 384 : i32
    %dma_wait3A_879 = arith.constant 0 : i32
    %dma_wait3A_880 = tpu.memref_slice %arg12[%dma_wait3A_878, %dma_wait3A_879] : memref<512x128xf32, #tpu.memory_space<vmem>> -> memref<64x128xf32, #tpu.memory_space<vmem>>
    %dma_wait3A_881 = arith.constant 384 : i32
    %dma_wait3A_882 = tpu.memref_slice %arg11[%dma_wait3A_881] : memref<512xi32, #tpu.memory_space<vmem>> -> memref<64xi32, #tpu.memory_space<vmem>>
    %dma_wait3A_883 = arith.constant 0 : i32
    %dma_wait3A_884 = arith.constant 0 : i32
    %dma_wait3A_885 = tpu.memref_slice %arg6[%dma_wait3A_883, %dma_wait3A_884] : memref<12500x128xf32, #tpu.memory_space<hbm>> -> memref<12500x128xf32, #tpu.memory_space<hbm>>
    tpu.wait_indirect_dma semaphore(%arg13 : memref<!tpu.dma_semaphore, #tpu.memory_space<semaphore_mem>>) src(%dma_wait3A_885 : memref<12500x128xf32, #tpu.memory_space<hbm>>) dst(%dma_wait3A_880 : memref<64x128xf32, #tpu.memory_space<vmem>>)
    %dma_wait3A_886 = arith.constant 448 : i32
    %dma_wait3A_887 = arith.constant 0 : i32
    %dma_wait3A_888 = tpu.memref_slice %arg12[%dma_wait3A_886, %dma_wait3A_887] : memref<512x128xf32, #tpu.memory_space<vmem>> -> memref<64x128xf32, #tpu.memory_space<vmem>>
    %dma_wait3A_889 = arith.constant 448 : i32
    %dma_wait3A_890 = tpu.memref_slice %arg11[%dma_wait3A_889] : memref<512xi32, #tpu.memory_space<vmem>> -> memref<64xi32, #tpu.memory_space<vmem>>
    %dma_wait3A_891 = arith.constant 0 : i32
    %dma_wait3A_892 = arith.constant 0 : i32
    %dma_wait3A_893 = tpu.memref_slice %arg6[%dma_wait3A_891, %dma_wait3A_892] : memref<12500x128xf32, #tpu.memory_space<hbm>> -> memref<12500x128xf32, #tpu.memory_space<hbm>>
    tpu.wait_indirect_dma semaphore(%arg13 : memref<!tpu.dma_semaphore, #tpu.memory_space<semaphore_mem>>) src(%dma_wait3A_893 : memref<12500x128xf32, #tpu.memory_space<hbm>>) dst(%dma_wait3A_888 : memref<64x128xf32, #tpu.memory_space<vmem>>)
    "tpu.region"() ({
      %run_scoped3A = tpu.sem_alloc : memref<!tpu.dma_semaphore, #tpu.memory_space<semaphore_mem>>
      %dma_start3A_1342 = arith.constant 0 : i32
      %dma_start3A_1343 = tpu.memref_slice %arg9[%mul3A_2, %dma_start3A_1342] : memref<16384x128xf32, #tpu.memory_space<hbm>> -> memref<512x128xf32, #tpu.memory_space<hbm>>
      %dma_start3A_1344 = arith.constant 0 : i32
      %dma_start3A_1345 = tpu.memref_slice %arg9[%mul3A_2, %dma_start3A_1344] : memref<16384x128xf32, #tpu.memory_space<hbm>> -> memref<512x128xf32, #tpu.memory_space<hbm>>
      tpu.enqueue_dma source(%arg12 : memref<512x128xf32, #tpu.memory_space<vmem>>) target(%dma_start3A_1345 : memref<512x128xf32, #tpu.memory_space<hbm>>) target_semaphore(%run_scoped3A : memref<!tpu.dma_semaphore, #tpu.memory_space<semaphore_mem>>)
      %dma_wait3A_1346 = arith.constant 0 : i32
      %dma_wait3A_1347 = tpu.memref_slice %arg9[%mul3A_2, %dma_wait3A_1346] : memref<16384x128xf32, #tpu.memory_space<hbm>> -> memref<512x128xf32, #tpu.memory_space<hbm>>
      %dma_wait3A_1348 = arith.constant 0 : i32
      %dma_wait3A_1349 = tpu.memref_slice %arg9[%mul3A_2, %dma_wait3A_1348] : memref<16384x128xf32, #tpu.memory_space<hbm>> -> memref<512x128xf32, #tpu.memory_space<hbm>>
      tpu.wait_dma2 semaphore(%run_scoped3A : memref<!tpu.dma_semaphore, #tpu.memory_space<semaphore_mem>>) src(%arg12 : memref<512x128xf32, #tpu.memory_space<vmem>>) dst(%dma_wait3A_1349 : memref<512x128xf32, #tpu.memory_space<hbm>>)
      tpu.yield
    }) : () -> ()
    "tpu.region"() ({
      %run_scoped3A = tpu.sem_alloc : memref<!tpu.dma_semaphore, #tpu.memory_space<semaphore_mem>>
      %dma_start3A_1342 = tpu.memref_slice %arg4[%mul3A_2] : memref<16384xi32, #tpu.memory_space<hbm>> -> memref<512xi32, #tpu.memory_space<hbm>>
      %dma_start3A_1343 = tpu.memref_slice %arg4[%mul3A_2] : memref<16384xi32, #tpu.memory_space<hbm>> -> memref<512xi32, #tpu.memory_space<hbm>>
      tpu.enqueue_dma source(%dma_start3A_1343 : memref<512xi32, #tpu.memory_space<hbm>>) target(%arg11 : memref<512xi32, #tpu.memory_space<vmem>>) target_semaphore(%run_scoped3A : memref<!tpu.dma_semaphore, #tpu.memory_space<semaphore_mem>>)
      %dma_wait3A_1344 = tpu.memref_slice %arg4[%mul3A_2] : memref<16384xi32, #tpu.memory_space<hbm>> -> memref<512xi32, #tpu.memory_space<hbm>>
      %dma_wait3A_1345 = tpu.memref_slice %arg4[%mul3A_2] : memref<16384xi32, #tpu.memory_space<hbm>> -> memref<512xi32, #tpu.memory_space<hbm>>
      tpu.wait_dma2 semaphore(%run_scoped3A : memref<!tpu.dma_semaphore, #tpu.memory_space<semaphore_mem>>) src(%dma_wait3A_1345 : memref<512xi32, #tpu.memory_space<hbm>>) dst(%arg11 : memref<512xi32, #tpu.memory_space<vmem>>)
      tpu.yield
    }) : () -> ()
    %get3A_894 = arith.constant 0 : index
    %get3A_895 = tpu.vector_load %arg11[%get3A_894] {strides = array<i32>} : memref<512xi32, #tpu.memory_space<vmem>>, vector<16xi32>,
    %get3A_896 = vector.shape_cast %get3A_895 : vector<16xi32> to vector<16xi32>
    %shift_right_arithmetic3A_897 = arith.constant 3 : i32
    %shift_right_arithmetic3A_898 = vector.broadcast %shift_right_arithmetic3A_897 : i32 to vector<16xi32>
    %shift_right_arithmetic3A_899 = arith.shrsi %get3A_896, %shift_right_arithmetic3A_898 : vector<16xi32>
    %swap3A_900 = arith.constant 0 : index
    %swap3A_901 = tpu.vector_load %arg11[%swap3A_900] {strides = array<i32>} : memref<512xi32, #tpu.memory_space<vmem>>, vector<16xi32>,
    %swap3A_902 = vector.shape_cast %swap3A_901 : vector<16xi32> to vector<16xi32>
    %swap3A_903 = vector.shape_cast %shift_right_arithmetic3A_899 : vector<16xi32> to vector<16xi32>
    tpu.vector_store %arg11[%swap3A_900], %swap3A_903 {strides = array<i32>} : memref<512xi32, #tpu.memory_space<vmem>>, vector<16xi32>,
    %get3A_904 = arith.constant 16 : index
    %get3A_905 = tpu.vector_load %arg11[%get3A_904] {strides = array<i32>} : memref<512xi32, #tpu.memory_space<vmem>>, vector<16xi32>,
    %get3A_906 = vector.shape_cast %get3A_905 : vector<16xi32> to vector<16xi32>
    %shift_right_arithmetic3A_907 = arith.constant 3 : i32
    %shift_right_arithmetic3A_908 = vector.broadcast %shift_right_arithmetic3A_907 : i32 to vector<16xi32>
    %shift_right_arithmetic3A_909 = arith.shrsi %get3A_906, %shift_right_arithmetic3A_908 : vector<16xi32>
    %swap3A_910 = arith.constant 16 : index
    %swap3A_911 = tpu.vector_load %arg11[%swap3A_910] {strides = array<i32>} : memref<512xi32, #tpu.memory_space<vmem>>, vector<16xi32>,
    %swap3A_912 = vector.shape_cast %swap3A_911 : vector<16xi32> to vector<16xi32>
    %swap3A_913 = vector.shape_cast %shift_right_arithmetic3A_909 : vector<16xi32> to vector<16xi32>
    tpu.vector_store %arg11[%swap3A_910], %swap3A_913 {strides = array<i32>} : memref<512xi32, #tpu.memory_space<vmem>>, vector<16xi32>,
    %get3A_914 = arith.constant 32 : index
    %get3A_915 = tpu.vector_load %arg11[%get3A_914] {strides = array<i32>} : memref<512xi32, #tpu.memory_space<vmem>>, vector<16xi32>,
    %get3A_916 = vector.shape_cast %get3A_915 : vector<16xi32> to vector<16xi32>
    %shift_right_arithmetic3A_917 = arith.constant 3 : i32
    %shift_right_arithmetic3A_918 = vector.broadcast %shift_right_arithmetic3A_917 : i32 to vector<16xi32>
    %shift_right_arithmetic3A_919 = arith.shrsi %get3A_916, %shift_right_arithmetic3A_918 : vector<16xi32>
    %swap3A_920 = arith.constant 32 : index
    %swap3A_921 = tpu.vector_load %arg11[%swap3A_920] {strides = array<i32>} : memref<512xi32, #tpu.memory_space<vmem>>, vector<16xi32>,
    %swap3A_922 = vector.shape_cast %swap3A_921 : vector<16xi32> to vector<16xi32>
    %swap3A_923 = vector.shape_cast %shift_right_arithmetic3A_919 : vector<16xi32> to vector<16xi32>
    tpu.vector_store %arg11[%swap3A_920], %swap3A_923 {strides = array<i32>} : memref<512xi32, #tpu.memory_space<vmem>>, vector<16xi32>,
    %get3A_924 = arith.constant 48 : index
    %get3A_925 = tpu.vector_load %arg11[%get3A_924] {strides = array<i32>} : memref<512xi32, #tpu.memory_space<vmem>>, vector<16xi32>,
    %get3A_926 = vector.shape_cast %get3A_925 : vector<16xi32> to vector<16xi32>
    %shift_right_arithmetic3A_927 = arith.constant 3 : i32
    %shift_right_arithmetic3A_928 = vector.broadcast %shift_right_arithmetic3A_927 : i32 to vector<16xi32>
    %shift_right_arithmetic3A_929 = arith.shrsi %get3A_926, %shift_right_arithmetic3A_928 : vector<16xi32>
    %swap3A_930 = arith.constant 48 : index
    %swap3A_931 = tpu.vector_load %arg11[%swap3A_930] {strides = array<i32>} : memref<512xi32, #tpu.memory_space<vmem>>, vector<16xi32>,
    %swap3A_932 = vector.shape_cast %swap3A_931 : vector<16xi32> to vector<16xi32>
    %swap3A_933 = vector.shape_cast %shift_right_arithmetic3A_929 : vector<16xi32> to vector<16xi32>
    tpu.vector_store %arg11[%swap3A_930], %swap3A_933 {strides = array<i32>} : memref<512xi32, #tpu.memory_space<vmem>>, vector<16xi32>,
    %get3A_934 = arith.constant 64 : index
    %get3A_935 = tpu.vector_load %arg11[%get3A_934] {strides = array<i32>} : memref<512xi32, #tpu.memory_space<vmem>>, vector<16xi32>,
    %get3A_936 = vector.shape_cast %get3A_935 : vector<16xi32> to vector<16xi32>
    %shift_right_arithmetic3A_937 = arith.constant 3 : i32
    %shift_right_arithmetic3A_938 = vector.broadcast %shift_right_arithmetic3A_937 : i32 to vector<16xi32>
    %shift_right_arithmetic3A_939 = arith.shrsi %get3A_936, %shift_right_arithmetic3A_938 : vector<16xi32>
    %swap3A_940 = arith.constant 64 : index
    %swap3A_941 = tpu.vector_load %arg11[%swap3A_940] {strides = array<i32>} : memref<512xi32, #tpu.memory_space<vmem>>, vector<16xi32>,
    %swap3A_942 = vector.shape_cast %swap3A_941 : vector<16xi32> to vector<16xi32>
    %swap3A_943 = vector.shape_cast %shift_right_arithmetic3A_939 : vector<16xi32> to vector<16xi32>
    tpu.vector_store %arg11[%swap3A_940], %swap3A_943 {strides = array<i32>} : memref<512xi32, #tpu.memory_space<vmem>>, vector<16xi32>,
    %get3A_944 = arith.constant 80 : index
    %get3A_945 = tpu.vector_load %arg11[%get3A_944] {strides = array<i32>} : memref<512xi32, #tpu.memory_space<vmem>>, vector<16xi32>,
    %get3A_946 = vector.shape_cast %get3A_945 : vector<16xi32> to vector<16xi32>
    %shift_right_arithmetic3A_947 = arith.constant 3 : i32
    %shift_right_arithmetic3A_948 = vector.broadcast %shift_right_arithmetic3A_947 : i32 to vector<16xi32>
    %shift_right_arithmetic3A_949 = arith.shrsi %get3A_946, %shift_right_arithmetic3A_948 : vector<16xi32>
    %swap3A_950 = arith.constant 80 : index
    %swap3A_951 = tpu.vector_load %arg11[%swap3A_950] {strides = array<i32>} : memref<512xi32, #tpu.memory_space<vmem>>, vector<16xi32>,
    %swap3A_952 = vector.shape_cast %swap3A_951 : vector<16xi32> to vector<16xi32>
    %swap3A_953 = vector.shape_cast %shift_right_arithmetic3A_949 : vector<16xi32> to vector<16xi32>
    tpu.vector_store %arg11[%swap3A_950], %swap3A_953 {strides = array<i32>} : memref<512xi32, #tpu.memory_space<vmem>>, vector<16xi32>,
    %get3A_954 = arith.constant 96 : index
    %get3A_955 = tpu.vector_load %arg11[%get3A_954] {strides = array<i32>} : memref<512xi32, #tpu.memory_space<vmem>>, vector<16xi32>,
    %get3A_956 = vector.shape_cast %get3A_955 : vector<16xi32> to vector<16xi32>
    %shift_right_arithmetic3A_957 = arith.constant 3 : i32
    %shift_right_arithmetic3A_958 = vector.broadcast %shift_right_arithmetic3A_957 : i32 to vector<16xi32>
    %shift_right_arithmetic3A_959 = arith.shrsi %get3A_956, %shift_right_arithmetic3A_958 : vector<16xi32>
    %swap3A_960 = arith.constant 96 : index
    %swap3A_961 = tpu.vector_load %arg11[%swap3A_960] {strides = array<i32>} : memref<512xi32, #tpu.memory_space<vmem>>, vector<16xi32>,
    %swap3A_962 = vector.shape_cast %swap3A_961 : vector<16xi32> to vector<16xi32>
    %swap3A_963 = vector.shape_cast %shift_right_arithmetic3A_959 : vector<16xi32> to vector<16xi32>
    tpu.vector_store %arg11[%swap3A_960], %swap3A_963 {strides = array<i32>} : memref<512xi32, #tpu.memory_space<vmem>>, vector<16xi32>,
    %get3A_964 = arith.constant 112 : index
    %get3A_965 = tpu.vector_load %arg11[%get3A_964] {strides = array<i32>} : memref<512xi32, #tpu.memory_space<vmem>>, vector<16xi32>,
    %get3A_966 = vector.shape_cast %get3A_965 : vector<16xi32> to vector<16xi32>
    %shift_right_arithmetic3A_967 = arith.constant 3 : i32
    %shift_right_arithmetic3A_968 = vector.broadcast %shift_right_arithmetic3A_967 : i32 to vector<16xi32>
    %shift_right_arithmetic3A_969 = arith.shrsi %get3A_966, %shift_right_arithmetic3A_968 : vector<16xi32>
    %swap3A_970 = arith.constant 112 : index
    %swap3A_971 = tpu.vector_load %arg11[%swap3A_970] {strides = array<i32>} : memref<512xi32, #tpu.memory_space<vmem>>, vector<16xi32>,
    %swap3A_972 = vector.shape_cast %swap3A_971 : vector<16xi32> to vector<16xi32>
    %swap3A_973 = vector.shape_cast %shift_right_arithmetic3A_969 : vector<16xi32> to vector<16xi32>
    tpu.vector_store %arg11[%swap3A_970], %swap3A_973 {strides = array<i32>} : memref<512xi32, #tpu.memory_space<vmem>>, vector<16xi32>,
    %get3A_974 = arith.constant 128 : index
    %get3A_975 = tpu.vector_load %arg11[%get3A_974] {strides = array<i32>} : memref<512xi32, #tpu.memory_space<vmem>>, vector<16xi32>,
    %get3A_976 = vector.shape_cast %get3A_975 : vector<16xi32> to vector<16xi32>
    %shift_right_arithmetic3A_977 = arith.constant 3 : i32
    %shift_right_arithmetic3A_978 = vector.broadcast %shift_right_arithmetic3A_977 : i32 to vector<16xi32>
    %shift_right_arithmetic3A_979 = arith.shrsi %get3A_976, %shift_right_arithmetic3A_978 : vector<16xi32>
    %swap3A_980 = arith.constant 128 : index
    %swap3A_981 = tpu.vector_load %arg11[%swap3A_980] {strides = array<i32>} : memref<512xi32, #tpu.memory_space<vmem>>, vector<16xi32>,
    %swap3A_982 = vector.shape_cast %swap3A_981 : vector<16xi32> to vector<16xi32>
    %swap3A_983 = vector.shape_cast %shift_right_arithmetic3A_979 : vector<16xi32> to vector<16xi32>
    tpu.vector_store %arg11[%swap3A_980], %swap3A_983 {strides = array<i32>} : memref<512xi32, #tpu.memory_space<vmem>>, vector<16xi32>,
    %get3A_984 = arith.constant 144 : index
    %get3A_985 = tpu.vector_load %arg11[%get3A_984] {strides = array<i32>} : memref<512xi32, #tpu.memory_space<vmem>>, vector<16xi32>,
    %get3A_986 = vector.shape_cast %get3A_985 : vector<16xi32> to vector<16xi32>
    %shift_right_arithmetic3A_987 = arith.constant 3 : i32
    %shift_right_arithmetic3A_988 = vector.broadcast %shift_right_arithmetic3A_987 : i32 to vector<16xi32>
    %shift_right_arithmetic3A_989 = arith.shrsi %get3A_986, %shift_right_arithmetic3A_988 : vector<16xi32>
    %swap3A_990 = arith.constant 144 : index
    %swap3A_991 = tpu.vector_load %arg11[%swap3A_990] {strides = array<i32>} : memref<512xi32, #tpu.memory_space<vmem>>, vector<16xi32>,
    %swap3A_992 = vector.shape_cast %swap3A_991 : vector<16xi32> to vector<16xi32>
    %swap3A_993 = vector.shape_cast %shift_right_arithmetic3A_989 : vector<16xi32> to vector<16xi32>
    tpu.vector_store %arg11[%swap3A_990], %swap3A_993 {strides = array<i32>} : memref<512xi32, #tpu.memory_space<vmem>>, vector<16xi32>,
    %get3A_994 = arith.constant 160 : index
    %get3A_995 = tpu.vector_load %arg11[%get3A_994] {strides = array<i32>} : memref<512xi32, #tpu.memory_space<vmem>>, vector<16xi32>,
    %get3A_996 = vector.shape_cast %get3A_995 : vector<16xi32> to vector<16xi32>
    %shift_right_arithmetic3A_997 = arith.constant 3 : i32
    %shift_right_arithmetic3A_998 = vector.broadcast %shift_right_arithmetic3A_997 : i32 to vector<16xi32>
    %shift_right_arithmetic3A_999 = arith.shrsi %get3A_996, %shift_right_arithmetic3A_998 : vector<16xi32>
    %swap3A_1000 = arith.constant 160 : index
    %swap3A_1001 = tpu.vector_load %arg11[%swap3A_1000] {strides = array<i32>} : memref<512xi32, #tpu.memory_space<vmem>>, vector<16xi32>,
    %swap3A_1002 = vector.shape_cast %swap3A_1001 : vector<16xi32> to vector<16xi32>
    %swap3A_1003 = vector.shape_cast %shift_right_arithmetic3A_999 : vector<16xi32> to vector<16xi32>
    tpu.vector_store %arg11[%swap3A_1000], %swap3A_1003 {strides = array<i32>} : memref<512xi32, #tpu.memory_space<vmem>>, vector<16xi32>,
    %get3A_1004 = arith.constant 176 : index
    %get3A_1005 = tpu.vector_load %arg11[%get3A_1004] {strides = array<i32>} : memref<512xi32, #tpu.memory_space<vmem>>, vector<16xi32>,
    %get3A_1006 = vector.shape_cast %get3A_1005 : vector<16xi32> to vector<16xi32>
    %shift_right_arithmetic3A_1007 = arith.constant 3 : i32
    %shift_right_arithmetic3A_1008 = vector.broadcast %shift_right_arithmetic3A_1007 : i32 to vector<16xi32>
    %shift_right_arithmetic3A_1009 = arith.shrsi %get3A_1006, %shift_right_arithmetic3A_1008 : vector<16xi32>
    %swap3A_1010 = arith.constant 176 : index
    %swap3A_1011 = tpu.vector_load %arg11[%swap3A_1010] {strides = array<i32>} : memref<512xi32, #tpu.memory_space<vmem>>, vector<16xi32>,
    %swap3A_1012 = vector.shape_cast %swap3A_1011 : vector<16xi32> to vector<16xi32>
    %swap3A_1013 = vector.shape_cast %shift_right_arithmetic3A_1009 : vector<16xi32> to vector<16xi32>
    tpu.vector_store %arg11[%swap3A_1010], %swap3A_1013 {strides = array<i32>} : memref<512xi32, #tpu.memory_space<vmem>>, vector<16xi32>,
    %get3A_1014 = arith.constant 192 : index
    %get3A_1015 = tpu.vector_load %arg11[%get3A_1014] {strides = array<i32>} : memref<512xi32, #tpu.memory_space<vmem>>, vector<16xi32>,
    %get3A_1016 = vector.shape_cast %get3A_1015 : vector<16xi32> to vector<16xi32>
    %shift_right_arithmetic3A_1017 = arith.constant 3 : i32
    %shift_right_arithmetic3A_1018 = vector.broadcast %shift_right_arithmetic3A_1017 : i32 to vector<16xi32>
    %shift_right_arithmetic3A_1019 = arith.shrsi %get3A_1016, %shift_right_arithmetic3A_1018 : vector<16xi32>
    %swap3A_1020 = arith.constant 192 : index
    %swap3A_1021 = tpu.vector_load %arg11[%swap3A_1020] {strides = array<i32>} : memref<512xi32, #tpu.memory_space<vmem>>, vector<16xi32>,
    %swap3A_1022 = vector.shape_cast %swap3A_1021 : vector<16xi32> to vector<16xi32>
    %swap3A_1023 = vector.shape_cast %shift_right_arithmetic3A_1019 : vector<16xi32> to vector<16xi32>
    tpu.vector_store %arg11[%swap3A_1020], %swap3A_1023 {strides = array<i32>} : memref<512xi32, #tpu.memory_space<vmem>>, vector<16xi32>,
    %get3A_1024 = arith.constant 208 : index
    %get3A_1025 = tpu.vector_load %arg11[%get3A_1024] {strides = array<i32>} : memref<512xi32, #tpu.memory_space<vmem>>, vector<16xi32>,
    %get3A_1026 = vector.shape_cast %get3A_1025 : vector<16xi32> to vector<16xi32>
    %shift_right_arithmetic3A_1027 = arith.constant 3 : i32
    %shift_right_arithmetic3A_1028 = vector.broadcast %shift_right_arithmetic3A_1027 : i32 to vector<16xi32>
    %shift_right_arithmetic3A_1029 = arith.shrsi %get3A_1026, %shift_right_arithmetic3A_1028 : vector<16xi32>
    %swap3A_1030 = arith.constant 208 : index
    %swap3A_1031 = tpu.vector_load %arg11[%swap3A_1030] {strides = array<i32>} : memref<512xi32, #tpu.memory_space<vmem>>, vector<16xi32>,
    %swap3A_1032 = vector.shape_cast %swap3A_1031 : vector<16xi32> to vector<16xi32>
    %swap3A_1033 = vector.shape_cast %shift_right_arithmetic3A_1029 : vector<16xi32> to vector<16xi32>
    tpu.vector_store %arg11[%swap3A_1030], %swap3A_1033 {strides = array<i32>} : memref<512xi32, #tpu.memory_space<vmem>>, vector<16xi32>,
    %get3A_1034 = arith.constant 224 : index
    %get3A_1035 = tpu.vector_load %arg11[%get3A_1034] {strides = array<i32>} : memref<512xi32, #tpu.memory_space<vmem>>, vector<16xi32>,
    %get3A_1036 = vector.shape_cast %get3A_1035 : vector<16xi32> to vector<16xi32>
    %shift_right_arithmetic3A_1037 = arith.constant 3 : i32
    %shift_right_arithmetic3A_1038 = vector.broadcast %shift_right_arithmetic3A_1037 : i32 to vector<16xi32>
    %shift_right_arithmetic3A_1039 = arith.shrsi %get3A_1036, %shift_right_arithmetic3A_1038 : vector<16xi32>
    %swap3A_1040 = arith.constant 224 : index
    %swap3A_1041 = tpu.vector_load %arg11[%swap3A_1040] {strides = array<i32>} : memref<512xi32, #tpu.memory_space<vmem>>, vector<16xi32>,
    %swap3A_1042 = vector.shape_cast %swap3A_1041 : vector<16xi32> to vector<16xi32>
    %swap3A_1043 = vector.shape_cast %shift_right_arithmetic3A_1039 : vector<16xi32> to vector<16xi32>
    tpu.vector_store %arg11[%swap3A_1040], %swap3A_1043 {strides = array<i32>} : memref<512xi32, #tpu.memory_space<vmem>>, vector<16xi32>,
    %get3A_1044 = arith.constant 240 : index
    %get3A_1045 = tpu.vector_load %arg11[%get3A_1044] {strides = array<i32>} : memref<512xi32, #tpu.memory_space<vmem>>, vector<16xi32>,
    %get3A_1046 = vector.shape_cast %get3A_1045 : vector<16xi32> to vector<16xi32>
    %shift_right_arithmetic3A_1047 = arith.constant 3 : i32
    %shift_right_arithmetic3A_1048 = vector.broadcast %shift_right_arithmetic3A_1047 : i32 to vector<16xi32>
    %shift_right_arithmetic3A_1049 = arith.shrsi %get3A_1046, %shift_right_arithmetic3A_1048 : vector<16xi32>
    %swap3A_1050 = arith.constant 240 : index
    %swap3A_1051 = tpu.vector_load %arg11[%swap3A_1050] {strides = array<i32>} : memref<512xi32, #tpu.memory_space<vmem>>, vector<16xi32>,
    %swap3A_1052 = vector.shape_cast %swap3A_1051 : vector<16xi32> to vector<16xi32>
    %swap3A_1053 = vector.shape_cast %shift_right_arithmetic3A_1049 : vector<16xi32> to vector<16xi32>
    tpu.vector_store %arg11[%swap3A_1050], %swap3A_1053 {strides = array<i32>} : memref<512xi32, #tpu.memory_space<vmem>>, vector<16xi32>,
    %get3A_1054 = arith.constant 256 : index
    %get3A_1055 = tpu.vector_load %arg11[%get3A_1054] {strides = array<i32>} : memref<512xi32, #tpu.memory_space<vmem>>, vector<16xi32>,
    %get3A_1056 = vector.shape_cast %get3A_1055 : vector<16xi32> to vector<16xi32>
    %shift_right_arithmetic3A_1057 = arith.constant 3 : i32
    %shift_right_arithmetic3A_1058 = vector.broadcast %shift_right_arithmetic3A_1057 : i32 to vector<16xi32>
    %shift_right_arithmetic3A_1059 = arith.shrsi %get3A_1056, %shift_right_arithmetic3A_1058 : vector<16xi32>
    %swap3A_1060 = arith.constant 256 : index
    %swap3A_1061 = tpu.vector_load %arg11[%swap3A_1060] {strides = array<i32>} : memref<512xi32, #tpu.memory_space<vmem>>, vector<16xi32>,
    %swap3A_1062 = vector.shape_cast %swap3A_1061 : vector<16xi32> to vector<16xi32>
    %swap3A_1063 = vector.shape_cast %shift_right_arithmetic3A_1059 : vector<16xi32> to vector<16xi32>
    tpu.vector_store %arg11[%swap3A_1060], %swap3A_1063 {strides = array<i32>} : memref<512xi32, #tpu.memory_space<vmem>>, vector<16xi32>,
    %get3A_1064 = arith.constant 272 : index
    %get3A_1065 = tpu.vector_load %arg11[%get3A_1064] {strides = array<i32>} : memref<512xi32, #tpu.memory_space<vmem>>, vector<16xi32>,
    %get3A_1066 = vector.shape_cast %get3A_1065 : vector<16xi32> to vector<16xi32>
    %shift_right_arithmetic3A_1067 = arith.constant 3 : i32
    %shift_right_arithmetic3A_1068 = vector.broadcast %shift_right_arithmetic3A_1067 : i32 to vector<16xi32>
    %shift_right_arithmetic3A_1069 = arith.shrsi %get3A_1066, %shift_right_arithmetic3A_1068 : vector<16xi32>
    %swap3A_1070 = arith.constant 272 : index
    %swap3A_1071 = tpu.vector_load %arg11[%swap3A_1070] {strides = array<i32>} : memref<512xi32, #tpu.memory_space<vmem>>, vector<16xi32>,
    %swap3A_1072 = vector.shape_cast %swap3A_1071 : vector<16xi32> to vector<16xi32>
    %swap3A_1073 = vector.shape_cast %shift_right_arithmetic3A_1069 : vector<16xi32> to vector<16xi32>
    tpu.vector_store %arg11[%swap3A_1070], %swap3A_1073 {strides = array<i32>} : memref<512xi32, #tpu.memory_space<vmem>>, vector<16xi32>,
    %get3A_1074 = arith.constant 288 : index
    %get3A_1075 = tpu.vector_load %arg11[%get3A_1074] {strides = array<i32>} : memref<512xi32, #tpu.memory_space<vmem>>, vector<16xi32>,
    %get3A_1076 = vector.shape_cast %get3A_1075 : vector<16xi32> to vector<16xi32>
    %shift_right_arithmetic3A_1077 = arith.constant 3 : i32
    %shift_right_arithmetic3A_1078 = vector.broadcast %shift_right_arithmetic3A_1077 : i32 to vector<16xi32>
    %shift_right_arithmetic3A_1079 = arith.shrsi %get3A_1076, %shift_right_arithmetic3A_1078 : vector<16xi32>
    %swap3A_1080 = arith.constant 288 : index
    %swap3A_1081 = tpu.vector_load %arg11[%swap3A_1080] {strides = array<i32>} : memref<512xi32, #tpu.memory_space<vmem>>, vector<16xi32>,
    %swap3A_1082 = vector.shape_cast %swap3A_1081 : vector<16xi32> to vector<16xi32>
    %swap3A_1083 = vector.shape_cast %shift_right_arithmetic3A_1079 : vector<16xi32> to vector<16xi32>
    tpu.vector_store %arg11[%swap3A_1080], %swap3A_1083 {strides = array<i32>} : memref<512xi32, #tpu.memory_space<vmem>>, vector<16xi32>,
    %get3A_1084 = arith.constant 304 : index
    %get3A_1085 = tpu.vector_load %arg11[%get3A_1084] {strides = array<i32>} : memref<512xi32, #tpu.memory_space<vmem>>, vector<16xi32>,
    %get3A_1086 = vector.shape_cast %get3A_1085 : vector<16xi32> to vector<16xi32>
    %shift_right_arithmetic3A_1087 = arith.constant 3 : i32
    %shift_right_arithmetic3A_1088 = vector.broadcast %shift_right_arithmetic3A_1087 : i32 to vector<16xi32>
    %shift_right_arithmetic3A_1089 = arith.shrsi %get3A_1086, %shift_right_arithmetic3A_1088 : vector<16xi32>
    %swap3A_1090 = arith.constant 304 : index
    %swap3A_1091 = tpu.vector_load %arg11[%swap3A_1090] {strides = array<i32>} : memref<512xi32, #tpu.memory_space<vmem>>, vector<16xi32>,
    %swap3A_1092 = vector.shape_cast %swap3A_1091 : vector<16xi32> to vector<16xi32>
    %swap3A_1093 = vector.shape_cast %shift_right_arithmetic3A_1089 : vector<16xi32> to vector<16xi32>
    tpu.vector_store %arg11[%swap3A_1090], %swap3A_1093 {strides = array<i32>} : memref<512xi32, #tpu.memory_space<vmem>>, vector<16xi32>,
    %get3A_1094 = arith.constant 320 : index
    %get3A_1095 = tpu.vector_load %arg11[%get3A_1094] {strides = array<i32>} : memref<512xi32, #tpu.memory_space<vmem>>, vector<16xi32>,
    %get3A_1096 = vector.shape_cast %get3A_1095 : vector<16xi32> to vector<16xi32>
    %shift_right_arithmetic3A_1097 = arith.constant 3 : i32
    %shift_right_arithmetic3A_1098 = vector.broadcast %shift_right_arithmetic3A_1097 : i32 to vector<16xi32>
    %shift_right_arithmetic3A_1099 = arith.shrsi %get3A_1096, %shift_right_arithmetic3A_1098 : vector<16xi32>
    %swap3A_1100 = arith.constant 320 : index
    %swap3A_1101 = tpu.vector_load %arg11[%swap3A_1100] {strides = array<i32>} : memref<512xi32, #tpu.memory_space<vmem>>, vector<16xi32>,
    %swap3A_1102 = vector.shape_cast %swap3A_1101 : vector<16xi32> to vector<16xi32>
    %swap3A_1103 = vector.shape_cast %shift_right_arithmetic3A_1099 : vector<16xi32> to vector<16xi32>
    tpu.vector_store %arg11[%swap3A_1100], %swap3A_1103 {strides = array<i32>} : memref<512xi32, #tpu.memory_space<vmem>>, vector<16xi32>,
    %get3A_1104 = arith.constant 336 : index
    %get3A_1105 = tpu.vector_load %arg11[%get3A_1104] {strides = array<i32>} : memref<512xi32, #tpu.memory_space<vmem>>, vector<16xi32>,
    %get3A_1106 = vector.shape_cast %get3A_1105 : vector<16xi32> to vector<16xi32>
    %shift_right_arithmetic3A_1107 = arith.constant 3 : i32
    %shift_right_arithmetic3A_1108 = vector.broadcast %shift_right_arithmetic3A_1107 : i32 to vector<16xi32>
    %shift_right_arithmetic3A_1109 = arith.shrsi %get3A_1106, %shift_right_arithmetic3A_1108 : vector<16xi32>
    %swap3A_1110 = arith.constant 336 : index
    %swap3A_1111 = tpu.vector_load %arg11[%swap3A_1110] {strides = array<i32>} : memref<512xi32, #tpu.memory_space<vmem>>, vector<16xi32>,
    %swap3A_1112 = vector.shape_cast %swap3A_1111 : vector<16xi32> to vector<16xi32>
    %swap3A_1113 = vector.shape_cast %shift_right_arithmetic3A_1109 : vector<16xi32> to vector<16xi32>
    tpu.vector_store %arg11[%swap3A_1110], %swap3A_1113 {strides = array<i32>} : memref<512xi32, #tpu.memory_space<vmem>>, vector<16xi32>,
    %get3A_1114 = arith.constant 352 : index
    %get3A_1115 = tpu.vector_load %arg11[%get3A_1114] {strides = array<i32>} : memref<512xi32, #tpu.memory_space<vmem>>, vector<16xi32>,
    %get3A_1116 = vector.shape_cast %get3A_1115 : vector<16xi32> to vector<16xi32>
    %shift_right_arithmetic3A_1117 = arith.constant 3 : i32
    %shift_right_arithmetic3A_1118 = vector.broadcast %shift_right_arithmetic3A_1117 : i32 to vector<16xi32>
    %shift_right_arithmetic3A_1119 = arith.shrsi %get3A_1116, %shift_right_arithmetic3A_1118 : vector<16xi32>
    %swap3A_1120 = arith.constant 352 : index
    %swap3A_1121 = tpu.vector_load %arg11[%swap3A_1120] {strides = array<i32>} : memref<512xi32, #tpu.memory_space<vmem>>, vector<16xi32>,
    %swap3A_1122 = vector.shape_cast %swap3A_1121 : vector<16xi32> to vector<16xi32>
    %swap3A_1123 = vector.shape_cast %shift_right_arithmetic3A_1119 : vector<16xi32> to vector<16xi32>
    tpu.vector_store %arg11[%swap3A_1120], %swap3A_1123 {strides = array<i32>} : memref<512xi32, #tpu.memory_space<vmem>>, vector<16xi32>,
    %get3A_1124 = arith.constant 368 : index
    %get3A_1125 = tpu.vector_load %arg11[%get3A_1124] {strides = array<i32>} : memref<512xi32, #tpu.memory_space<vmem>>, vector<16xi32>,
    %get3A_1126 = vector.shape_cast %get3A_1125 : vector<16xi32> to vector<16xi32>
    %shift_right_arithmetic3A_1127 = arith.constant 3 : i32
    %shift_right_arithmetic3A_1128 = vector.broadcast %shift_right_arithmetic3A_1127 : i32 to vector<16xi32>
    %shift_right_arithmetic3A_1129 = arith.shrsi %get3A_1126, %shift_right_arithmetic3A_1128 : vector<16xi32>
    %swap3A_1130 = arith.constant 368 : index
    %swap3A_1131 = tpu.vector_load %arg11[%swap3A_1130] {strides = array<i32>} : memref<512xi32, #tpu.memory_space<vmem>>, vector<16xi32>,
    %swap3A_1132 = vector.shape_cast %swap3A_1131 : vector<16xi32> to vector<16xi32>
    %swap3A_1133 = vector.shape_cast %shift_right_arithmetic3A_1129 : vector<16xi32> to vector<16xi32>
    tpu.vector_store %arg11[%swap3A_1130], %swap3A_1133 {strides = array<i32>} : memref<512xi32, #tpu.memory_space<vmem>>, vector<16xi32>,
    %get3A_1134 = arith.constant 384 : index
    %get3A_1135 = tpu.vector_load %arg11[%get3A_1134] {strides = array<i32>} : memref<512xi32, #tpu.memory_space<vmem>>, vector<16xi32>,
    %get3A_1136 = vector.shape_cast %get3A_1135 : vector<16xi32> to vector<16xi32>
    %shift_right_arithmetic3A_1137 = arith.constant 3 : i32
    %shift_right_arithmetic3A_1138 = vector.broadcast %shift_right_arithmetic3A_1137 : i32 to vector<16xi32>
    %shift_right_arithmetic3A_1139 = arith.shrsi %get3A_1136, %shift_right_arithmetic3A_1138 : vector<16xi32>
    %swap3A_1140 = arith.constant 384 : index
    %swap3A_1141 = tpu.vector_load %arg11[%swap3A_1140] {strides = array<i32>} : memref<512xi32, #tpu.memory_space<vmem>>, vector<16xi32>,
    %swap3A_1142 = vector.shape_cast %swap3A_1141 : vector<16xi32> to vector<16xi32>
    %swap3A_1143 = vector.shape_cast %shift_right_arithmetic3A_1139 : vector<16xi32> to vector<16xi32>
    tpu.vector_store %arg11[%swap3A_1140], %swap3A_1143 {strides = array<i32>} : memref<512xi32, #tpu.memory_space<vmem>>, vector<16xi32>,
    %get3A_1144 = arith.constant 400 : index
    %get3A_1145 = tpu.vector_load %arg11[%get3A_1144] {strides = array<i32>} : memref<512xi32, #tpu.memory_space<vmem>>, vector<16xi32>,
    %get3A_1146 = vector.shape_cast %get3A_1145 : vector<16xi32> to vector<16xi32>
    %shift_right_arithmetic3A_1147 = arith.constant 3 : i32
    %shift_right_arithmetic3A_1148 = vector.broadcast %shift_right_arithmetic3A_1147 : i32 to vector<16xi32>
    %shift_right_arithmetic3A_1149 = arith.shrsi %get3A_1146, %shift_right_arithmetic3A_1148 : vector<16xi32>
    %swap3A_1150 = arith.constant 400 : index
    %swap3A_1151 = tpu.vector_load %arg11[%swap3A_1150] {strides = array<i32>} : memref<512xi32, #tpu.memory_space<vmem>>, vector<16xi32>,
    %swap3A_1152 = vector.shape_cast %swap3A_1151 : vector<16xi32> to vector<16xi32>
    %swap3A_1153 = vector.shape_cast %shift_right_arithmetic3A_1149 : vector<16xi32> to vector<16xi32>
    tpu.vector_store %arg11[%swap3A_1150], %swap3A_1153 {strides = array<i32>} : memref<512xi32, #tpu.memory_space<vmem>>, vector<16xi32>,
    %get3A_1154 = arith.constant 416 : index
    %get3A_1155 = tpu.vector_load %arg11[%get3A_1154] {strides = array<i32>} : memref<512xi32, #tpu.memory_space<vmem>>, vector<16xi32>,
    %get3A_1156 = vector.shape_cast %get3A_1155 : vector<16xi32> to vector<16xi32>
    %shift_right_arithmetic3A_1157 = arith.constant 3 : i32
    %shift_right_arithmetic3A_1158 = vector.broadcast %shift_right_arithmetic3A_1157 : i32 to vector<16xi32>
    %shift_right_arithmetic3A_1159 = arith.shrsi %get3A_1156, %shift_right_arithmetic3A_1158 : vector<16xi32>
    %swap3A_1160 = arith.constant 416 : index
    %swap3A_1161 = tpu.vector_load %arg11[%swap3A_1160] {strides = array<i32>} : memref<512xi32, #tpu.memory_space<vmem>>, vector<16xi32>,
    %swap3A_1162 = vector.shape_cast %swap3A_1161 : vector<16xi32> to vector<16xi32>
    %swap3A_1163 = vector.shape_cast %shift_right_arithmetic3A_1159 : vector<16xi32> to vector<16xi32>
    tpu.vector_store %arg11[%swap3A_1160], %swap3A_1163 {strides = array<i32>} : memref<512xi32, #tpu.memory_space<vmem>>, vector<16xi32>,
    %get3A_1164 = arith.constant 432 : index
    %get3A_1165 = tpu.vector_load %arg11[%get3A_1164] {strides = array<i32>} : memref<512xi32, #tpu.memory_space<vmem>>, vector<16xi32>,
    %get3A_1166 = vector.shape_cast %get3A_1165 : vector<16xi32> to vector<16xi32>
    %shift_right_arithmetic3A_1167 = arith.constant 3 : i32
    %shift_right_arithmetic3A_1168 = vector.broadcast %shift_right_arithmetic3A_1167 : i32 to vector<16xi32>
    %shift_right_arithmetic3A_1169 = arith.shrsi %get3A_1166, %shift_right_arithmetic3A_1168 : vector<16xi32>
    %swap3A_1170 = arith.constant 432 : index
    %swap3A_1171 = tpu.vector_load %arg11[%swap3A_1170] {strides = array<i32>} : memref<512xi32, #tpu.memory_space<vmem>>, vector<16xi32>,
    %swap3A_1172 = vector.shape_cast %swap3A_1171 : vector<16xi32> to vector<16xi32>
    %swap3A_1173 = vector.shape_cast %shift_right_arithmetic3A_1169 : vector<16xi32> to vector<16xi32>
    tpu.vector_store %arg11[%swap3A_1170], %swap3A_1173 {strides = array<i32>} : memref<512xi32, #tpu.memory_space<vmem>>, vector<16xi32>,
    %get3A_1174 = arith.constant 448 : index
    %get3A_1175 = tpu.vector_load %arg11[%get3A_1174] {strides = array<i32>} : memref<512xi32, #tpu.memory_space<vmem>>, vector<16xi32>,
    %get3A_1176 = vector.shape_cast %get3A_1175 : vector<16xi32> to vector<16xi32>
    %shift_right_arithmetic3A_1177 = arith.constant 3 : i32
    %shift_right_arithmetic3A_1178 = vector.broadcast %shift_right_arithmetic3A_1177 : i32 to vector<16xi32>
    %shift_right_arithmetic3A_1179 = arith.shrsi %get3A_1176, %shift_right_arithmetic3A_1178 : vector<16xi32>
    %swap3A_1180 = arith.constant 448 : index
    %swap3A_1181 = tpu.vector_load %arg11[%swap3A_1180] {strides = array<i32>} : memref<512xi32, #tpu.memory_space<vmem>>, vector<16xi32>,
    %swap3A_1182 = vector.shape_cast %swap3A_1181 : vector<16xi32> to vector<16xi32>
    %swap3A_1183 = vector.shape_cast %shift_right_arithmetic3A_1179 : vector<16xi32> to vector<16xi32>
    tpu.vector_store %arg11[%swap3A_1180], %swap3A_1183 {strides = array<i32>} : memref<512xi32, #tpu.memory_space<vmem>>, vector<16xi32>,
    %get3A_1184 = arith.constant 464 : index
    %get3A_1185 = tpu.vector_load %arg11[%get3A_1184] {strides = array<i32>} : memref<512xi32, #tpu.memory_space<vmem>>, vector<16xi32>,
    %get3A_1186 = vector.shape_cast %get3A_1185 : vector<16xi32> to vector<16xi32>
    %shift_right_arithmetic3A_1187 = arith.constant 3 : i32
    %shift_right_arithmetic3A_1188 = vector.broadcast %shift_right_arithmetic3A_1187 : i32 to vector<16xi32>
    %shift_right_arithmetic3A_1189 = arith.shrsi %get3A_1186, %shift_right_arithmetic3A_1188 : vector<16xi32>
    %swap3A_1190 = arith.constant 464 : index
    %swap3A_1191 = tpu.vector_load %arg11[%swap3A_1190] {strides = array<i32>} : memref<512xi32, #tpu.memory_space<vmem>>, vector<16xi32>,
    %swap3A_1192 = vector.shape_cast %swap3A_1191 : vector<16xi32> to vector<16xi32>
    %swap3A_1193 = vector.shape_cast %shift_right_arithmetic3A_1189 : vector<16xi32> to vector<16xi32>
    tpu.vector_store %arg11[%swap3A_1190], %swap3A_1193 {strides = array<i32>} : memref<512xi32, #tpu.memory_space<vmem>>, vector<16xi32>,
    %get3A_1194 = arith.constant 480 : index
    %get3A_1195 = tpu.vector_load %arg11[%get3A_1194] {strides = array<i32>} : memref<512xi32, #tpu.memory_space<vmem>>, vector<16xi32>,
    %get3A_1196 = vector.shape_cast %get3A_1195 : vector<16xi32> to vector<16xi32>
    %shift_right_arithmetic3A_1197 = arith.constant 3 : i32
    %shift_right_arithmetic3A_1198 = vector.broadcast %shift_right_arithmetic3A_1197 : i32 to vector<16xi32>
    %shift_right_arithmetic3A_1199 = arith.shrsi %get3A_1196, %shift_right_arithmetic3A_1198 : vector<16xi32>
    %swap3A_1200 = arith.constant 480 : index
    %swap3A_1201 = tpu.vector_load %arg11[%swap3A_1200] {strides = array<i32>} : memref<512xi32, #tpu.memory_space<vmem>>, vector<16xi32>,
    %swap3A_1202 = vector.shape_cast %swap3A_1201 : vector<16xi32> to vector<16xi32>
    %swap3A_1203 = vector.shape_cast %shift_right_arithmetic3A_1199 : vector<16xi32> to vector<16xi32>
    tpu.vector_store %arg11[%swap3A_1200], %swap3A_1203 {strides = array<i32>} : memref<512xi32, #tpu.memory_space<vmem>>, vector<16xi32>,
    %get3A_1204 = arith.constant 496 : index
    %get3A_1205 = tpu.vector_load %arg11[%get3A_1204] {strides = array<i32>} : memref<512xi32, #tpu.memory_space<vmem>>, vector<16xi32>,
    %get3A_1206 = vector.shape_cast %get3A_1205 : vector<16xi32> to vector<16xi32>
    %shift_right_arithmetic3A_1207 = arith.constant 3 : i32
    %shift_right_arithmetic3A_1208 = vector.broadcast %shift_right_arithmetic3A_1207 : i32 to vector<16xi32>
    %shift_right_arithmetic3A_1209 = arith.shrsi %get3A_1206, %shift_right_arithmetic3A_1208 : vector<16xi32>
    %swap3A_1210 = arith.constant 496 : index
    %swap3A_1211 = tpu.vector_load %arg11[%swap3A_1210] {strides = array<i32>} : memref<512xi32, #tpu.memory_space<vmem>>, vector<16xi32>,
    %swap3A_1212 = vector.shape_cast %swap3A_1211 : vector<16xi32> to vector<16xi32>
    %swap3A_1213 = vector.shape_cast %shift_right_arithmetic3A_1209 : vector<16xi32> to vector<16xi32>
    tpu.vector_store %arg11[%swap3A_1210], %swap3A_1213 {strides = array<i32>} : memref<512xi32, #tpu.memory_space<vmem>>, vector<16xi32>,
    %dma_start3A_1214 = arith.constant 0 : i32
    %dma_start3A_1215 = arith.constant 0 : i32
    %dma_start3A_1216 = tpu.memref_slice %arg12[%dma_start3A_1214, %dma_start3A_1215] : memref<512x128xf32, #tpu.memory_space<vmem>> -> memref<64x128xf32, #tpu.memory_space<vmem>>
    %dma_start3A_1217 = arith.constant 0 : i32
    %dma_start3A_1218 = tpu.memref_slice %arg11[%dma_start3A_1217] : memref<512xi32, #tpu.memory_space<vmem>> -> memref<64xi32, #tpu.memory_space<vmem>>
    %dma_start3A_1219 = arith.constant 0 : i32
    %dma_start3A_1220 = arith.constant 0 : i32
    %dma_start3A_1221 = tpu.memref_slice %arg7[%dma_start3A_1219, %dma_start3A_1220] : memref<125000x128xf32, #tpu.memory_space<hbm>> -> memref<125000x128xf32, #tpu.memory_space<hbm>>
    tpu.enqueue_indirect_dma source(%dma_start3A_1221 : memref<125000x128xf32, #tpu.memory_space<hbm>>) target(%dma_start3A_1216 : memref<64x128xf32, #tpu.memory_space<vmem>>) offsets(%dma_start3A_1218 : memref<64xi32, #tpu.memory_space<vmem>>) semaphore(%arg13 : memref<!tpu.dma_semaphore, #tpu.memory_space<semaphore_mem>>)
    %dma_start3A_1222 = arith.constant 64 : i32
    %dma_start3A_1223 = arith.constant 0 : i32
    %dma_start3A_1224 = tpu.memref_slice %arg12[%dma_start3A_1222, %dma_start3A_1223] : memref<512x128xf32, #tpu.memory_space<vmem>> -> memref<64x128xf32, #tpu.memory_space<vmem>>
    %dma_start3A_1225 = arith.constant 64 : i32
    %dma_start3A_1226 = tpu.memref_slice %arg11[%dma_start3A_1225] : memref<512xi32, #tpu.memory_space<vmem>> -> memref<64xi32, #tpu.memory_space<vmem>>
    %dma_start3A_1227 = arith.constant 0 : i32
    %dma_start3A_1228 = arith.constant 0 : i32
    %dma_start3A_1229 = tpu.memref_slice %arg7[%dma_start3A_1227, %dma_start3A_1228] : memref<125000x128xf32, #tpu.memory_space<hbm>> -> memref<125000x128xf32, #tpu.memory_space<hbm>>
    tpu.enqueue_indirect_dma source(%dma_start3A_1229 : memref<125000x128xf32, #tpu.memory_space<hbm>>) target(%dma_start3A_1224 : memref<64x128xf32, #tpu.memory_space<vmem>>) offsets(%dma_start3A_1226 : memref<64xi32, #tpu.memory_space<vmem>>) semaphore(%arg13 : memref<!tpu.dma_semaphore, #tpu.memory_space<semaphore_mem>>)
    %dma_start3A_1230 = arith.constant 128 : i32
    %dma_start3A_1231 = arith.constant 0 : i32
    %dma_start3A_1232 = tpu.memref_slice %arg12[%dma_start3A_1230, %dma_start3A_1231] : memref<512x128xf32, #tpu.memory_space<vmem>> -> memref<64x128xf32, #tpu.memory_space<vmem>>
    %dma_start3A_1233 = arith.constant 128 : i32
    %dma_start3A_1234 = tpu.memref_slice %arg11[%dma_start3A_1233] : memref<512xi32, #tpu.memory_space<vmem>> -> memref<64xi32, #tpu.memory_space<vmem>>
    %dma_start3A_1235 = arith.constant 0 : i32
    %dma_start3A_1236 = arith.constant 0 : i32
    %dma_start3A_1237 = tpu.memref_slice %arg7[%dma_start3A_1235, %dma_start3A_1236] : memref<125000x128xf32, #tpu.memory_space<hbm>> -> memref<125000x128xf32, #tpu.memory_space<hbm>>
    tpu.enqueue_indirect_dma source(%dma_start3A_1237 : memref<125000x128xf32, #tpu.memory_space<hbm>>) target(%dma_start3A_1232 : memref<64x128xf32, #tpu.memory_space<vmem>>) offsets(%dma_start3A_1234 : memref<64xi32, #tpu.memory_space<vmem>>) semaphore(%arg13 : memref<!tpu.dma_semaphore, #tpu.memory_space<semaphore_mem>>)
    %dma_start3A_1238 = arith.constant 192 : i32
    %dma_start3A_1239 = arith.constant 0 : i32
    %dma_start3A_1240 = tpu.memref_slice %arg12[%dma_start3A_1238, %dma_start3A_1239] : memref<512x128xf32, #tpu.memory_space<vmem>> -> memref<64x128xf32, #tpu.memory_space<vmem>>
    %dma_start3A_1241 = arith.constant 192 : i32
    %dma_start3A_1242 = tpu.memref_slice %arg11[%dma_start3A_1241] : memref<512xi32, #tpu.memory_space<vmem>> -> memref<64xi32, #tpu.memory_space<vmem>>
    %dma_start3A_1243 = arith.constant 0 : i32
    %dma_start3A_1244 = arith.constant 0 : i32
    %dma_start3A_1245 = tpu.memref_slice %arg7[%dma_start3A_1243, %dma_start3A_1244] : memref<125000x128xf32, #tpu.memory_space<hbm>> -> memref<125000x128xf32, #tpu.memory_space<hbm>>
    tpu.enqueue_indirect_dma source(%dma_start3A_1245 : memref<125000x128xf32, #tpu.memory_space<hbm>>) target(%dma_start3A_1240 : memref<64x128xf32, #tpu.memory_space<vmem>>) offsets(%dma_start3A_1242 : memref<64xi32, #tpu.memory_space<vmem>>) semaphore(%arg13 : memref<!tpu.dma_semaphore, #tpu.memory_space<semaphore_mem>>)
    %dma_start3A_1246 = arith.constant 256 : i32
    %dma_start3A_1247 = arith.constant 0 : i32
    %dma_start3A_1248 = tpu.memref_slice %arg12[%dma_start3A_1246, %dma_start3A_1247] : memref<512x128xf32, #tpu.memory_space<vmem>> -> memref<64x128xf32, #tpu.memory_space<vmem>>
    %dma_start3A_1249 = arith.constant 256 : i32
    %dma_start3A_1250 = tpu.memref_slice %arg11[%dma_start3A_1249] : memref<512xi32, #tpu.memory_space<vmem>> -> memref<64xi32, #tpu.memory_space<vmem>>
    %dma_start3A_1251 = arith.constant 0 : i32
    %dma_start3A_1252 = arith.constant 0 : i32
    %dma_start3A_1253 = tpu.memref_slice %arg7[%dma_start3A_1251, %dma_start3A_1252] : memref<125000x128xf32, #tpu.memory_space<hbm>> -> memref<125000x128xf32, #tpu.memory_space<hbm>>
    tpu.enqueue_indirect_dma source(%dma_start3A_1253 : memref<125000x128xf32, #tpu.memory_space<hbm>>) target(%dma_start3A_1248 : memref<64x128xf32, #tpu.memory_space<vmem>>) offsets(%dma_start3A_1250 : memref<64xi32, #tpu.memory_space<vmem>>) semaphore(%arg13 : memref<!tpu.dma_semaphore, #tpu.memory_space<semaphore_mem>>)
    %dma_start3A_1254 = arith.constant 320 : i32
    %dma_start3A_1255 = arith.constant 0 : i32
    %dma_start3A_1256 = tpu.memref_slice %arg12[%dma_start3A_1254, %dma_start3A_1255] : memref<512x128xf32, #tpu.memory_space<vmem>> -> memref<64x128xf32, #tpu.memory_space<vmem>>
    %dma_start3A_1257 = arith.constant 320 : i32
    %dma_start3A_1258 = tpu.memref_slice %arg11[%dma_start3A_1257] : memref<512xi32, #tpu.memory_space<vmem>> -> memref<64xi32, #tpu.memory_space<vmem>>
    %dma_start3A_1259 = arith.constant 0 : i32
    %dma_start3A_1260 = arith.constant 0 : i32
    %dma_start3A_1261 = tpu.memref_slice %arg7[%dma_start3A_1259, %dma_start3A_1260] : memref<125000x128xf32, #tpu.memory_space<hbm>> -> memref<125000x128xf32, #tpu.memory_space<hbm>>
    tpu.enqueue_indirect_dma source(%dma_start3A_1261 : memref<125000x128xf32, #tpu.memory_space<hbm>>) target(%dma_start3A_1256 : memref<64x128xf32, #tpu.memory_space<vmem>>) offsets(%dma_start3A_1258 : memref<64xi32, #tpu.memory_space<vmem>>) semaphore(%arg13 : memref<!tpu.dma_semaphore, #tpu.memory_space<semaphore_mem>>)
    %dma_start3A_1262 = arith.constant 384 : i32
    %dma_start3A_1263 = arith.constant 0 : i32
    %dma_start3A_1264 = tpu.memref_slice %arg12[%dma_start3A_1262, %dma_start3A_1263] : memref<512x128xf32, #tpu.memory_space<vmem>> -> memref<64x128xf32, #tpu.memory_space<vmem>>
    %dma_start3A_1265 = arith.constant 384 : i32
    %dma_start3A_1266 = tpu.memref_slice %arg11[%dma_start3A_1265] : memref<512xi32, #tpu.memory_space<vmem>> -> memref<64xi32, #tpu.memory_space<vmem>>
    %dma_start3A_1267 = arith.constant 0 : i32
    %dma_start3A_1268 = arith.constant 0 : i32
    %dma_start3A_1269 = tpu.memref_slice %arg7[%dma_start3A_1267, %dma_start3A_1268] : memref<125000x128xf32, #tpu.memory_space<hbm>> -> memref<125000x128xf32, #tpu.memory_space<hbm>>
    tpu.enqueue_indirect_dma source(%dma_start3A_1269 : memref<125000x128xf32, #tpu.memory_space<hbm>>) target(%dma_start3A_1264 : memref<64x128xf32, #tpu.memory_space<vmem>>) offsets(%dma_start3A_1266 : memref<64xi32, #tpu.memory_space<vmem>>) semaphore(%arg13 : memref<!tpu.dma_semaphore, #tpu.memory_space<semaphore_mem>>)
    %dma_start3A_1270 = arith.constant 448 : i32
    %dma_start3A_1271 = arith.constant 0 : i32
    %dma_start3A_1272 = tpu.memref_slice %arg12[%dma_start3A_1270, %dma_start3A_1271] : memref<512x128xf32, #tpu.memory_space<vmem>> -> memref<64x128xf32, #tpu.memory_space<vmem>>
    %dma_start3A_1273 = arith.constant 448 : i32
    %dma_start3A_1274 = tpu.memref_slice %arg11[%dma_start3A_1273] : memref<512xi32, #tpu.memory_space<vmem>> -> memref<64xi32, #tpu.memory_space<vmem>>
    %dma_start3A_1275 = arith.constant 0 : i32
    %dma_start3A_1276 = arith.constant 0 : i32
    %dma_start3A_1277 = tpu.memref_slice %arg7[%dma_start3A_1275, %dma_start3A_1276] : memref<125000x128xf32, #tpu.memory_space<hbm>> -> memref<125000x128xf32, #tpu.memory_space<hbm>>
    tpu.enqueue_indirect_dma source(%dma_start3A_1277 : memref<125000x128xf32, #tpu.memory_space<hbm>>) target(%dma_start3A_1272 : memref<64x128xf32, #tpu.memory_space<vmem>>) offsets(%dma_start3A_1274 : memref<64xi32, #tpu.memory_space<vmem>>) semaphore(%arg13 : memref<!tpu.dma_semaphore, #tpu.memory_space<semaphore_mem>>)
    %dma_wait3A_1278 = arith.constant 0 : i32
    %dma_wait3A_1279 = arith.constant 0 : i32
    %dma_wait3A_1280 = tpu.memref_slice %arg12[%dma_wait3A_1278, %dma_wait3A_1279] : memref<512x128xf32, #tpu.memory_space<vmem>> -> memref<64x128xf32, #tpu.memory_space<vmem>>
    %dma_wait3A_1281 = arith.constant 0 : i32
    %dma_wait3A_1282 = tpu.memref_slice %arg11[%dma_wait3A_1281] : memref<512xi32, #tpu.memory_space<vmem>> -> memref<64xi32, #tpu.memory_space<vmem>>
    %dma_wait3A_1283 = arith.constant 0 : i32
    %dma_wait3A_1284 = arith.constant 0 : i32
    %dma_wait3A_1285 = tpu.memref_slice %arg7[%dma_wait3A_1283, %dma_wait3A_1284] : memref<125000x128xf32, #tpu.memory_space<hbm>> -> memref<125000x128xf32, #tpu.memory_space<hbm>>
    tpu.wait_indirect_dma semaphore(%arg13 : memref<!tpu.dma_semaphore, #tpu.memory_space<semaphore_mem>>) src(%dma_wait3A_1285 : memref<125000x128xf32, #tpu.memory_space<hbm>>) dst(%dma_wait3A_1280 : memref<64x128xf32, #tpu.memory_space<vmem>>)
    %dma_wait3A_1286 = arith.constant 64 : i32
    %dma_wait3A_1287 = arith.constant 0 : i32
    %dma_wait3A_1288 = tpu.memref_slice %arg12[%dma_wait3A_1286, %dma_wait3A_1287] : memref<512x128xf32, #tpu.memory_space<vmem>> -> memref<64x128xf32, #tpu.memory_space<vmem>>
    %dma_wait3A_1289 = arith.constant 64 : i32
    %dma_wait3A_1290 = tpu.memref_slice %arg11[%dma_wait3A_1289] : memref<512xi32, #tpu.memory_space<vmem>> -> memref<64xi32, #tpu.memory_space<vmem>>
    %dma_wait3A_1291 = arith.constant 0 : i32
    %dma_wait3A_1292 = arith.constant 0 : i32
    %dma_wait3A_1293 = tpu.memref_slice %arg7[%dma_wait3A_1291, %dma_wait3A_1292] : memref<125000x128xf32, #tpu.memory_space<hbm>> -> memref<125000x128xf32, #tpu.memory_space<hbm>>
    tpu.wait_indirect_dma semaphore(%arg13 : memref<!tpu.dma_semaphore, #tpu.memory_space<semaphore_mem>>) src(%dma_wait3A_1293 : memref<125000x128xf32, #tpu.memory_space<hbm>>) dst(%dma_wait3A_1288 : memref<64x128xf32, #tpu.memory_space<vmem>>)
    %dma_wait3A_1294 = arith.constant 128 : i32
    %dma_wait3A_1295 = arith.constant 0 : i32
    %dma_wait3A_1296 = tpu.memref_slice %arg12[%dma_wait3A_1294, %dma_wait3A_1295] : memref<512x128xf32, #tpu.memory_space<vmem>> -> memref<64x128xf32, #tpu.memory_space<vmem>>
    %dma_wait3A_1297 = arith.constant 128 : i32
    %dma_wait3A_1298 = tpu.memref_slice %arg11[%dma_wait3A_1297] : memref<512xi32, #tpu.memory_space<vmem>> -> memref<64xi32, #tpu.memory_space<vmem>>
    %dma_wait3A_1299 = arith.constant 0 : i32
    %dma_wait3A_1300 = arith.constant 0 : i32
    %dma_wait3A_1301 = tpu.memref_slice %arg7[%dma_wait3A_1299, %dma_wait3A_1300] : memref<125000x128xf32, #tpu.memory_space<hbm>> -> memref<125000x128xf32, #tpu.memory_space<hbm>>
    tpu.wait_indirect_dma semaphore(%arg13 : memref<!tpu.dma_semaphore, #tpu.memory_space<semaphore_mem>>) src(%dma_wait3A_1301 : memref<125000x128xf32, #tpu.memory_space<hbm>>) dst(%dma_wait3A_1296 : memref<64x128xf32, #tpu.memory_space<vmem>>)
    %dma_wait3A_1302 = arith.constant 192 : i32
    %dma_wait3A_1303 = arith.constant 0 : i32
    %dma_wait3A_1304 = tpu.memref_slice %arg12[%dma_wait3A_1302, %dma_wait3A_1303] : memref<512x128xf32, #tpu.memory_space<vmem>> -> memref<64x128xf32, #tpu.memory_space<vmem>>
    %dma_wait3A_1305 = arith.constant 192 : i32
    %dma_wait3A_1306 = tpu.memref_slice %arg11[%dma_wait3A_1305] : memref<512xi32, #tpu.memory_space<vmem>> -> memref<64xi32, #tpu.memory_space<vmem>>
    %dma_wait3A_1307 = arith.constant 0 : i32
    %dma_wait3A_1308 = arith.constant 0 : i32
    %dma_wait3A_1309 = tpu.memref_slice %arg7[%dma_wait3A_1307, %dma_wait3A_1308] : memref<125000x128xf32, #tpu.memory_space<hbm>> -> memref<125000x128xf32, #tpu.memory_space<hbm>>
    tpu.wait_indirect_dma semaphore(%arg13 : memref<!tpu.dma_semaphore, #tpu.memory_space<semaphore_mem>>) src(%dma_wait3A_1309 : memref<125000x128xf32, #tpu.memory_space<hbm>>) dst(%dma_wait3A_1304 : memref<64x128xf32, #tpu.memory_space<vmem>>)
    %dma_wait3A_1310 = arith.constant 256 : i32
    %dma_wait3A_1311 = arith.constant 0 : i32
    %dma_wait3A_1312 = tpu.memref_slice %arg12[%dma_wait3A_1310, %dma_wait3A_1311] : memref<512x128xf32, #tpu.memory_space<vmem>> -> memref<64x128xf32, #tpu.memory_space<vmem>>
    %dma_wait3A_1313 = arith.constant 256 : i32
    %dma_wait3A_1314 = tpu.memref_slice %arg11[%dma_wait3A_1313] : memref<512xi32, #tpu.memory_space<vmem>> -> memref<64xi32, #tpu.memory_space<vmem>>
    %dma_wait3A_1315 = arith.constant 0 : i32
    %dma_wait3A_1316 = arith.constant 0 : i32
    %dma_wait3A_1317 = tpu.memref_slice %arg7[%dma_wait3A_1315, %dma_wait3A_1316] : memref<125000x128xf32, #tpu.memory_space<hbm>> -> memref<125000x128xf32, #tpu.memory_space<hbm>>
    tpu.wait_indirect_dma semaphore(%arg13 : memref<!tpu.dma_semaphore, #tpu.memory_space<semaphore_mem>>) src(%dma_wait3A_1317 : memref<125000x128xf32, #tpu.memory_space<hbm>>) dst(%dma_wait3A_1312 : memref<64x128xf32, #tpu.memory_space<vmem>>)
    %dma_wait3A_1318 = arith.constant 320 : i32
    %dma_wait3A_1319 = arith.constant 0 : i32
    %dma_wait3A_1320 = tpu.memref_slice %arg12[%dma_wait3A_1318, %dma_wait3A_1319] : memref<512x128xf32, #tpu.memory_space<vmem>> -> memref<64x128xf32, #tpu.memory_space<vmem>>
    %dma_wait3A_1321 = arith.constant 320 : i32
    %dma_wait3A_1322 = tpu.memref_slice %arg11[%dma_wait3A_1321] : memref<512xi32, #tpu.memory_space<vmem>> -> memref<64xi32, #tpu.memory_space<vmem>>
    %dma_wait3A_1323 = arith.constant 0 : i32
    %dma_wait3A_1324 = arith.constant 0 : i32
    %dma_wait3A_1325 = tpu.memref_slice %arg7[%dma_wait3A_1323, %dma_wait3A_1324] : memref<125000x128xf32, #tpu.memory_space<hbm>> -> memref<125000x128xf32, #tpu.memory_space<hbm>>
    tpu.wait_indirect_dma semaphore(%arg13 : memref<!tpu.dma_semaphore, #tpu.memory_space<semaphore_mem>>) src(%dma_wait3A_1325 : memref<125000x128xf32, #tpu.memory_space<hbm>>) dst(%dma_wait3A_1320 : memref<64x128xf32, #tpu.memory_space<vmem>>)
    %dma_wait3A_1326 = arith.constant 384 : i32
    %dma_wait3A_1327 = arith.constant 0 : i32
    %dma_wait3A_1328 = tpu.memref_slice %arg12[%dma_wait3A_1326, %dma_wait3A_1327] : memref<512x128xf32, #tpu.memory_space<vmem>> -> memref<64x128xf32, #tpu.memory_space<vmem>>
    %dma_wait3A_1329 = arith.constant 384 : i32
    %dma_wait3A_1330 = tpu.memref_slice %arg11[%dma_wait3A_1329] : memref<512xi32, #tpu.memory_space<vmem>> -> memref<64xi32, #tpu.memory_space<vmem>>
    %dma_wait3A_1331 = arith.constant 0 : i32
    %dma_wait3A_1332 = arith.constant 0 : i32
    %dma_wait3A_1333 = tpu.memref_slice %arg7[%dma_wait3A_1331, %dma_wait3A_1332] : memref<125000x128xf32, #tpu.memory_space<hbm>> -> memref<125000x128xf32, #tpu.memory_space<hbm>>
    tpu.wait_indirect_dma semaphore(%arg13 : memref<!tpu.dma_semaphore, #tpu.memory_space<semaphore_mem>>) src(%dma_wait3A_1333 : memref<125000x128xf32, #tpu.memory_space<hbm>>) dst(%dma_wait3A_1328 : memref<64x128xf32, #tpu.memory_space<vmem>>)
    %dma_wait3A_1334 = arith.constant 448 : i32
    %dma_wait3A_1335 = arith.constant 0 : i32
    %dma_wait3A_1336 = tpu.memref_slice %arg12[%dma_wait3A_1334, %dma_wait3A_1335] : memref<512x128xf32, #tpu.memory_space<vmem>> -> memref<64x128xf32, #tpu.memory_space<vmem>>
    %dma_wait3A_1337 = arith.constant 448 : i32
    %dma_wait3A_1338 = tpu.memref_slice %arg11[%dma_wait3A_1337] : memref<512xi32, #tpu.memory_space<vmem>> -> memref<64xi32, #tpu.memory_space<vmem>>
    %dma_wait3A_1339 = arith.constant 0 : i32
    %dma_wait3A_1340 = arith.constant 0 : i32
    %dma_wait3A_1341 = tpu.memref_slice %arg7[%dma_wait3A_1339, %dma_wait3A_1340] : memref<125000x128xf32, #tpu.memory_space<hbm>> -> memref<125000x128xf32, #tpu.memory_space<hbm>>
    tpu.wait_indirect_dma semaphore(%arg13 : memref<!tpu.dma_semaphore, #tpu.memory_space<semaphore_mem>>) src(%dma_wait3A_1341 : memref<125000x128xf32, #tpu.memory_space<hbm>>) dst(%dma_wait3A_1336 : memref<64x128xf32, #tpu.memory_space<vmem>>)
    "tpu.region"() ({
      %run_scoped3A = tpu.sem_alloc : memref<!tpu.dma_semaphore, #tpu.memory_space<semaphore_mem>>
      %dma_start3A_1342 = arith.constant 0 : i32
      %dma_start3A_1343 = tpu.memref_slice %arg10[%mul3A_2, %dma_start3A_1342] : memref<16384x128xf32, #tpu.memory_space<hbm>> -> memref<512x128xf32, #tpu.memory_space<hbm>>
      %dma_start3A_1344 = arith.constant 0 : i32
      %dma_start3A_1345 = tpu.memref_slice %arg10[%mul3A_2, %dma_start3A_1344] : memref<16384x128xf32, #tpu.memory_space<hbm>> -> memref<512x128xf32, #tpu.memory_space<hbm>>
      tpu.enqueue_dma source(%arg12 : memref<512x128xf32, #tpu.memory_space<vmem>>) target(%dma_start3A_1345 : memref<512x128xf32, #tpu.memory_space<hbm>>) target_semaphore(%run_scoped3A : memref<!tpu.dma_semaphore, #tpu.memory_space<semaphore_mem>>)
      %dma_wait3A_1346 = arith.constant 0 : i32
      %dma_wait3A_1347 = tpu.memref_slice %arg10[%mul3A_2, %dma_wait3A_1346] : memref<16384x128xf32, #tpu.memory_space<hbm>> -> memref<512x128xf32, #tpu.memory_space<hbm>>
      %dma_wait3A_1348 = arith.constant 0 : i32
      %dma_wait3A_1349 = tpu.memref_slice %arg10[%mul3A_2, %dma_wait3A_1348] : memref<16384x128xf32, #tpu.memory_space<hbm>> -> memref<512x128xf32, #tpu.memory_space<hbm>>
      tpu.wait_dma2 semaphore(%run_scoped3A : memref<!tpu.dma_semaphore, #tpu.memory_space<semaphore_mem>>) src(%arg12 : memref<512x128xf32, #tpu.memory_space<vmem>>) dst(%dma_wait3A_1349 : memref<512x128xf32, #tpu.memory_space<hbm>>)
      tpu.yield
    }) : () -> ()
    return
  }
}

</mosaic_0001>

<sc_bundles>
// kernel: _sc_gather3.3.cloned.1.call-start
scs
__scs_entry_jumppad:
0x0: {  	(pc) =	sbr.rel $0x88, $3  }
0x1: {  	(tag) =	ssettag $0x0;
	lr =	simm.s32 $0x1  }
0x2: {  	[smem:$0x3F9B] =	sst lr;
	_ =	strace $0xD0000000  }
0x3: {  	_ = 	snop  }
0x4: {  	_ = 	snop  }
0x5: {  	_ = 	snop  }
0x6: {  	_ = 	snop  }
0x7: {  	_ = 	snop  }
__scs_overlays_trampoline_lowered:
0x8: {  	[smem:$0x3FAA] =	sst s0  }
0x9: {  	[smem:$0x3FAB] =	sst s1  }
0xa: {  	[smem:$0x3FAC] =	sst s2  }
0xb: {  	[smem:$0x3FAD] =	sst s3  }
0xc: {  	[smem:$0x3FAE] =	sst s4  }
0xd: {  	[smem:$0x3FAF] =	sst s5  }
0xe: {  	[smem:$0x3FB0] =	sst s6  }
0xf: {  	[smem:$0x3FB1] =	sst s7  }
0x10: {  	[smem:$0x3FB2] =	sst s8  }
0x11: {  	[smem:$0x3FB3] =	sst s9;
	s0 =	simm.s32 @!p0 $0x0  }
0x12: {  	s1 =	sld [smem:$0x3F99];
	s0 =	simm.s32 @p0 $0x1  }
0x13: {  	[smem:$0x3FB4] =	sst s0;
	s0 =	simm.s32 @!p1 $0x0  }
0x14: {  	s2 =	sld [smem:$0x3F98];
	s0 =	simm.s32 @p1 $0x1  }
0x15: {  	[smem:$0x3FB5] =	sst s0;
	s0 =	simm.s32 @!p2 $0x0  }
0x16: {  	s3 =	sld [smem:$0x3FDB];
	s0 =	simm.s32 @p2 $0x1  }
0x17: {  	s4 =	simm.s32 $0x1BF5;
	[smem:$0x3FB7] =	sst s0  }
0x18: {  	s0 =	sld [smem:$0x3F9A];
	_ =	swait.ge [sflag:s4], $0x0  }
0x19: {  	s7 =	sld [smem:$0x3F9B]  }
0x1a: {  	s8 =	sadd.s32 $0xFFFFE003, lr  }
0x1b: {  	s9 =	sadd.s32 $0xFFFFFEF7, lr;
	s5 =	simm.s32 $0xFFFFFFFF;
	p2 =	slt.u32 s8, $0xFFFFF086  }
0x1c: {  	p1 =	slt.u32 s9, $0xF7A;
	s5 =	simm.s32 @!p2 $0x0  }
0x1d: {  	s5 =	simm.s32 @p1 $0x1;
	p0 =	seq.s32 s7, s2  }
0x1e: {  	s7 =	smul.u32 @!p0 $0xF7A, s2;
	p2 =	seq.s32 @!p0 s5, $0x0  }
0x1f: {  	s9 =	smul.u32 $0xF7A, s1;
	s8 =	simm.s32 @!p0 $0x1BF5;
	p2 =	por !p2, p0  }
0x20: {  	[sflag:s8] =	ssyncset.s32 @!p0 $0xFFFFF086;
	s6 =	sadd.s32 @!p0 s3, s7;
	s7 =	simm.s32 @!p0 $0x108  }
0x21: {  	s3 =	sadd.s32 s3, s9;
	s6 =	sadd.s32 @!p0 $0x88, s6;
	s7 =	simm.s32 @p2 $0x1082  }
0x22: {  	[simem:s7], [sflag:s8] =	dma.local @!p0 [hbm:s6], $0xF7A  }
0x23: {  	s9 =	sor.u32 $0xD0000000, s2;
	s6 =	simm.s32 $0x108;
	_ =	swait.ge @!p0 [sflag:s8], $0x0  }
0x24: {  	s3 =	sadd.s32 $0x88, s3;
	s6 =	simm.s32 @!p1 $0x1082;
	[sflag:s4] =	ssyncset.s32 $0xFFFFF086  }
0x25: {  	[simem:s6], [sflag:s4] =	dma.local [hbm:s3], $0xF7A  }
0x26: {  	[smem:$0x3F9B] =	sst s1;
	(tag) =	ssettag s2;
	_ =	strace s9  }
0x27: {  	s1 =	sld [smem:$0x3FAB]  }
0x28: {  	s2 =	sld [smem:$0x3FAC]  }
0x29: {  	s4 =	sld [smem:$0x3FAE]  }
0x2a: {  	p0 =	seq.s32 s5, $0x0;
	s5 =	sld [smem:$0x3FAF]  }
0x2b: {  	s6 =	sld [smem:$0x3FB0]  }
0x2c: {  	s7 =	sld [smem:$0x3FB1]  }
0x2d: {  	s3 =	simm.s32 $0x108;
	s8 =	sld [smem:$0x3FB2]  }
0x2e: {  	s3 =	simm.s32 @!p0 $0x1082;
	s9 =	sld [smem:$0x3FB3]  }
0x2f: {  	lr =	sadd.s32 s0, s3;
	s0 =	sld [smem:$0x3FAA]  }
0x30: {  	s3 =	sld [smem:$0x3FAD]  }
0x31: {  	[smem:$0x3FB6] =	sst s10  }
0x32: {  	s10 =	sld [smem:$0x3FB4];
	_ =	sdelay $0x3  }
0x33: {  	p0 =	seq.s32 s10, $0x1;
	s10 =	sld [smem:$0x3FB6];
	_ =	sdelay $0x3  }
0x34: {  	[smem:$0x3FB6] =	sst s10  }
0x35: {  	s10 =	sld [smem:$0x3FB5];
	_ =	sdelay $0x3  }
0x36: {  	p1 =	seq.s32 s10, $0x1;
	s10 =	sld [smem:$0x3FB6];
	_ =	sdelay $0x3  }
0x37: {  	[smem:$0x3FB6] =	sst s10  }
0x38: {  	s10 =	sld [smem:$0x3FB7]  }
0x39: {  	_ = 	snop;
	(pc) =	sbr.ind lr, $3  }
0x3a: {  	_ = 	snop  }
0x3b: {  	_ = 	snop  }
0x3c: {  	p2 =	seq.s32 s10, $0x1;
	s10 =	sld [smem:$0x3FB6]  }
0x3d: {  	_ =	shalt  }
0x3e: {  	_ =	shalt  }
0x3f: {  	_ =	shalt  }
0x40: {  	_ =	shalt  }
0x41: {  	_ =	shalt  }
0x42: {  	_ =	shalt  }
0x43: {  	_ =	shalt  }
0x44: {  	_ =	shalt  }
0x45: {  	_ =	shalt  }
0x46: {  	_ =	shalt  }
0x47: {  	_ =	shalt  }
0x48: {  	_ =	shalt  }
0x49: {  	_ =	shalt  }
0x4a: {  	_ =	shalt  }
0x4b: {  	_ =	shalt  }
0x4c: {  	_ =	shalt  }
0x4d: {  	_ =	shalt  }
0x4e: {  	_ =	shalt  }
0x4f: {  	_ =	shalt  }
0x50: {  	_ =	shalt  }
0x51: {  	_ =	shalt  }
0x52: {  	_ =	shalt  }
0x53: {  	_ =	shalt  }
0x54: {  	_ =	shalt  }
0x55: {  	_ =	shalt  }
0x56: {  	_ =	shalt  }
0x57: {  	_ =	shalt  }
0x58: {  	_ =	shalt  }
0x59: {  	_ =	shalt  }
0x5a: {  	_ =	shalt  }
0x5b: {  	_ =	shalt  }
0x5c: {  	_ =	shalt  }
0x5d: {  	_ =	shalt  }
0x5e: {  	_ =	shalt  }
0x5f: {  	_ =	shalt  }
0x60: {  	_ =	shalt  }
0x61: {  	_ =	shalt  }
0x62: {  	_ =	shalt  }
0x63: {  	_ =	shalt  }
0x64: {  	_ =	shalt  }
0x65: {  	_ =	shalt  }
0x66: {  	_ =	shalt  }
0x67: {  	_ =	shalt  }
0x68: {  	_ =	shalt  }
0x69: {  	_ =	shalt  }
0x6a: {  	_ =	shalt  }
0x6b: {  	_ =	shalt  }
0x6c: {  	_ =	shalt  }
0x6d: {  	_ =	shalt  }
0x6e: {  	_ =	shalt  }
0x6f: {  	_ =	shalt  }
0x70: {  	_ =	shalt  }
0x71: {  	_ =	shalt  }
0x72: {  	_ =	shalt  }
0x73: {  	_ =	shalt  }
0x74: {  	_ =	shalt  }
0x75: {  	_ =	shalt  }
0x76: {  	_ =	shalt  }
0x77: {  	_ =	shalt  }
0x78: {  	_ =	shalt  }
0x79: {  	_ =	shalt  }
0x7a: {  	_ =	shalt  }
0x7b: {  	_ =	shalt  }
0x7c: {  	_ =	shalt  }
0x7d: {  	_ =	shalt  }
0x7e: {  	_ =	shalt  }
0x7f: {  	_ =	shalt  }
0x80: {  	_ =	shalt  }
0x81: {  	_ =	shalt  }
0x82: {  	_ =	shalt  }
0x83: {  	_ =	shalt  }
0x84: {  	_ =	shalt  }
0x85: {  	_ =	shalt  }
0x86: {  	_ =	shalt  }
0x87: {  	_ =	shalt  }
.Lfunc_end0:
.L_simem_size_0:
called_computation_lowered:
.L_overlay_start_0:
0x88: {  	s2 =	sld [smem:$0x3FD9]  }
0x89: {  	s3 =	sld [smem:$0x3FFE];
	_ =	sdelay $0x1  }
0x8a: {  	s1 =	srdreg.scid  }
0x8b: {  	s0 =	sand.u32 $0x1, s1  }
0x8c: {  	s15 =	sshll.u32 s0, $0xA;
	s2 =	sadd.s32 s3, s2  }
0x8d: {  	s2 =	sadd.s32 s2, s15  }
0x8e: {  	[smem:$0x3FC2] =	sst s2  }
0x8f: {  	_ = 	snop  }
0x90: {  	s2 =	sld [smem:$0x3FC9]  }
0x91: {  	s16 =	sld [smem:$0x3FC8]  }
0x92: {  	s4 =	sld [smem:$0x3FC7]  }
0x93: {  	s5 =	sld [smem:$0x3FD0]  }
0x94: {  	s6 =	sld [smem:$0x3FC6]  }
0x95: {  	s7 =	sld [smem:$0x3FC5]  }
0x96: {  	s9 =	simm.s32 $0xA;
	s10 =	simm.s32 $0x10;
	s8 =	sld [smem:$0x3FC4]  }
0x97: {  	[smem:s10], [sflag:s9] =	dma.local [hbm:s5], $0x1  }
0x98: {  	_ =	swait.eq [sflag:s9], $0x1  }
0x99: {  	s17 =	sld [smem:$0x10];
	[sflag:s9] =	ssyncset.done $0x0  }
0x9a: {  	s18 =	sld [smem:$0x11];
	[sflag:s9] =	ssyncadd.s32 $0xFFFFFFFF  }
0x9b: {  	s19 =	sld [smem:$0x12];
	(tm) =	ssettm $0x1  }
0x9c: {  	s11 =	sld [smem:$0x3FFB];
	_ =	sdelay $0x3  }
0x9d: {  	_ =	strace s11  }
0x9e: {  	s11 =	sld [smem:$0x3FFC];
	_ =	sdelay $0x3  }
0x9f: {  	_ =	strace s11  }
0xa0: {  	s11 =	sld [smem:$0x3FFD];
	_ =	sdelay $0x3  }
0xa1: {  	_ =	strace s11  }
0xa2: {  	_ =	strace $0x8FFFFFFF  }
0xa3: {  	s20 =	sld [smem:$0x3FDB];
	_ =	sdelay $0x1  }
0xa4: {  	s12 =	simm.s32 $_scs_section_size  }
0xa5: {  	s13 =	simm.s32 $_size__tile_overlayer_lowered;
	s14 =	simm.s32 $_tile_overlayer_lowered  }
0xa6: {  	s23 =	simm.s32 $0x1BFF;
	s22 =	sshll.u32 s14, $0x1;
	s11 =	sadd.s32 s12, s20  }
0xa7: {  	s21 =	sshll.u32 s13, $0x1;
	s15 =	simm.s32 $0x0;
	s13 =	sadd.s32 s22, s11  }
0xa8: {  	[timem:s15], [sflag:s23] =	dma.local [hbm:s13], s21  }
0xa9: {  	_ =	swait.ge [sflag:s23], s21  }
0xaa: {  	s12 =	ssub.s32 $0x0, s21;
	[sflag:s23] =	ssyncset.done $0x0  }
0xab: {  	[sflag:s23] =	ssyncadd.s32 s12;
	_ =	sdelay $0x1  }
0xac: {  	s24 =	simm.s32 $0x1B8B  }
0xad: {  	_ =	swait.ge [sflag:s24], $0x1  }
0xae: {  	[sflag:s24] =	ssyncset.done $0x0  }
0xaf: {  	s25 =	simm.s32 $0x1B8E;
	[sflag:s24] =	ssyncadd.s32 $0xFFFFFFFF  }
0xb0: {  	s26 =	simm.s32 $execute0_lowered;
	[smem:$0x3FD2] =	sst s25  }
0xb1: {  	s12 =	sshll.u32 s26, $0x1;
	_ =	strace $0x80000046;
	[dreg:$0x1] =	wrdreg $0xFFFFFFFF  }
0xb2: {  	s28 =	simm.s32 $_size_execute0_lowered;
	s11 =	sadd.s32 s11, s12;
	[dreg:$0x0] =	wrdreg $0x0  }
0xb3: {  	s12 =	sshll.u32 s28, $0x1;
	[dreg:$0x2] =	wrdreg s11  }
0xb4: {  	[dreg:$0x3] =	wrdreg s12  }
0xb5: {  	[dreg:$0x4] =	wrdreg $0xC0  }
0xb6: {  	_ =	task [dreg:s15], $0x5FFFF  }
0xb7: {  	[dreg:$0x1] =	wrdreg $0xFFFFFFFF  }
0xb8: {  	[dreg:$0x0] =	wrdreg $0x60  }
0xb9: {  	[dreg:$0x2] =	wrdreg s2  }
0xba: {  	[dreg:$0x3] =	wrdreg s16  }
0xbb: {  	[dreg:$0x4] =	wrdreg s4  }
0xbc: {  	[dreg:$0x5] =	wrdreg s6  }
0xbd: {  	[dreg:$0x6] =	wrdreg s7  }
0xbe: {  	[dreg:$0x7] =	wrdreg s8  }
0xbf: {  	[dreg:$0x8] =	wrdreg s17  }
0xc0: {  	[dreg:$0x9] =	wrdreg s18  }
0xc1: {  	[dreg:$0xa] =	wrdreg s19  }
0xc2: {  	[dreg:$0xb] =	wrdreg $0x9  }
0xc3: {  	_ =	task.clear_ibuf [dreg:s15], $0xCFFFF;
	_ =	strace $0x90000046  }
0xc4: {  	s29 =	simm.s32 $0x9;
	_ =	strace $0x80000048  }
0xc5: {  	_ =	swait.ge [sflag:s29], $0x1  }
0xc6: {  	[sflag:s29] =	ssyncadd.s32 $0xFFFFFFFF  }
0xc7: {  	_ =	strace $0x90000048  }
0xc8: {  	_ =	sfence  }
0xc9: {  	s30 =	sld [smem:$0x0];
	_ =	sdelay $0x2  }
0xca: {  	s31 =	sshll.u32 s1, $0xD;
	s1 =	sshrl.u32 s1, $0x2  }
0xcb: {  	s3 =	sand.u32 $0x4000, s31;
	s1 =	sadd.s32 s1, s30  }
0xcc: {  	s0 =	sor.u32 s3, s0;
	s1 =	sshll.u32 s1, $0x11  }
0xcd: {  	s0 =	sor.u32 s1, s0  }
0xce: {  	s0 =	sadd.s32 $0x8F2B, s0  }
0xcf: {  	[sflag:s0] =	ssyncadd.remote.s32 $0x1  }
0xd0: {  	_ =	sfence.sel $0xFFFF  }
0xd1: {  	[dreg:$0x0] =	wrdreg $0xFFFFFFFF;
	(pc) =	sbr.abs _section_cstart, $3  }
0xd2: {  	[dreg:$0x1] =	wrdreg $0xFFFFFFFF  }
0xd3: {  	_ =	task.clear_ibuf [dreg:s15], $0x2FFFF;
	_ =	strace $0x9FFFFFFF  }
0xd4: {  	(tm) =	ssettm $0x7FFFFFFF  }
0xd5: {  	_ =	shalt  }
tec
execute0_lowered:
.L_overlay_start_1:
0x0: {  	(tag) =	ssettag $0x1  }
0x1: {  	s6 =	rddreg [dreg:$0x0]  }
0x2: {  	s8 =	rddreg [dreg:$0x1]  }
0x3: {  	s10 =	rddreg [dreg:$0x2]  }
0x4: {  	s1 =	rddreg [dreg:$0x3]  }
0x5: {  	s2 =	rddreg [dreg:$0x4]  }
0x6: {  	s3 =	rddreg [dreg:$0x5]  }
0x7: {  	s7 =	rddreg [dreg:$0x6]  }
0x8: {  	s9 =	rddreg [dreg:$0x7]  }
0x9: {  	s11 =	rddreg [dreg:$0x8]  }
0xa: {  	s0 =	rddreg [dreg:$0x9];
	s5 =	simm.s32 $0x0;
	s12 =	srdreg.scid  }
0xb: {  	s4 =	stileid.u32;
	s16 =	simm.s32 $0x2200;
	s17 =	simm.s32 $0x80  }
0xc: {  	s18 =	simm.s32 $0x4200;
	s19 =	simm.s32 $0xC0;
	s20 =	simm.s32 $0x6200  }
0xd: {  	s21 =	simm.s32 $0x100;
	s22 =	simm.s32 $0x8200;
	s23 =	simm.s32 $0x140  }
0xe: {  	s24 =	simm.s32 $0xA200;
	s25 =	simm.s32 $0x180;
	s26 =	simm.s32 $0xC200  }
0xf: {  	s28 =	simm.s32 $0x1C0;
	s29 =	simm.s32 $0xE200;
	s12 =	sand.u32 $0x1, s12  }
0x10: {  	s30 =	simm.s32 $0x1;
	[smem:$0x7FF] =	sst s5;
	s13 =	ssub.s32 $0x2, s12  }
0x11: {  	s14 =	sshll.u32 s4, $0xA;
	s12 =	sshll.u32 s12, $0x9;
	s15 =	sshrl.u32 s13, $0x1  }
0x12: {  	_ =	strace $0x80000047;
	s12 =	sor.u32 s12, s14;
	s13 =	ssub.s32 s13, s15  }
0x13: {  	s14 =	sshrl.u32 s12, $0x3;
	s12 =	sshll.u32 s12, $0x4;
	s15 =	simm.s32 $0x200  }
0x14: {  	s6 =	sadd.s32 s6, s14;
	s7 =	sadd.s32 s7, s12;
	s8 =	sadd.s32 s8, s14  }
0x15: {  	s9 =	sadd.s32 s9, s12;
	s10 =	sadd.s32 s10, s14;
	s11 =	sadd.s32 s11, s12  }
0x16: {  	s12 =	smax.u32 s13, $0x1;
	s13 =	simm.s32 $0x2;
	s14 =	simm.s32 $0x40  }
.LBB2_1:
0x17: {  	[tilespmem:s5], [sflag:$0x2] =	stream.linear.gather [hbm4b:s6+s5], $0x200, $0x38;
	[tilespmem:$0x10200] =	vst v63  }
0x18: {  	_ =	swait.ge [sflag:s13], $0x200  }
0x19: {  	[sflag:s13] =	ssyncset.done $0x0  }
0x1a: {  	[sflag:s13] =	ssyncadd.s32 $0xFFFFFE00  }
0x1b: {  	v0 =	vld [tilespmem:$0x0]  }
0x1c: {  	v1 =	vld [tilespmem:$0x10]  }
0x1d: {  	v2 =	vld [tilespmem:$0x20]  }
0x1e: {  	v3 =	vld [tilespmem:$0x30]  }
0x1f: {  	v4 =	vld [tilespmem:$0x40]  }
0x20: {  	v5 =	vld [tilespmem:$0x50];
	v0 =	vshra.s32 v0, $0x3  }
0x21: {  	v51 =	vld [tilespmem:$0x60];
	v50 =	vshra.s32 v1, $0x3;
	[tilespmem:$0x0] =	vst v0  }
0x22: {  	v53 =	vld [tilespmem:$0x70];
	v52 =	vshra.s32 v2, $0x3;
	[tilespmem:$0x10] =	vst v50  }
0x23: {  	v55 =	vld [tilespmem:$0x80];
	v54 =	vshra.s32 v3, $0x3;
	[tilespmem:$0x20] =	vst v52  }
0x24: {  	v57 =	vld [tilespmem:$0x90];
	v56 =	vshra.s32 v4, $0x3;
	[tilespmem:$0x30] =	vst v54  }
0x25: {  	v59 =	vld [tilespmem:$0xA0];
	v58 =	vshra.s32 v5, $0x3;
	[tilespmem:$0x40] =	vst v56  }
0x26: {  	v61 =	vld [tilespmem:$0xB0];
	v60 =	vshra.s32 v51, $0x3;
	[tilespmem:$0x50] =	vst v58  }
0x27: {  	v63 =	vld [tilespmem:$0xC0];
	v62 =	vshra.s32 v53, $0x3;
	[tilespmem:$0x60] =	vst v60  }
0x28: {  	v9 =	vld [tilespmem:$0xD0];
	v8 =	vshra.s32 v55, $0x3;
	[tilespmem:$0x70] =	vst v62  }
0x29: {  	v11 =	vld [tilespmem:$0xE0];
	v10 =	vshra.s32 v57, $0x3;
	[tilespmem:$0x80] =	vst v8  }
0x2a: {  	v13 =	vld [tilespmem:$0xF0];
	v12 =	vshra.s32 v59, $0x3;
	[tilespmem:$0x90] =	vst v10  }
0x2b: {  	v15 =	vld [tilespmem:$0x100];
	v14 =	vshra.s32 v61, $0x3;
	[tilespmem:$0xA0] =	vst v12  }
0x2c: {  	v17 =	vld [tilespmem:$0x110];
	v16 =	vshra.s32 v63, $0x3;
	[tilespmem:$0xB0] =	vst v14  }
0x2d: {  	v19 =	vld [tilespmem:$0x120];
	v18 =	vshra.s32 v9, $0x3;
	[tilespmem:$0xC0] =	vst v16  }
0x2e: {  	v21 =	vld [tilespmem:$0x130];
	v20 =	vshra.s32 v11, $0x3;
	[tilespmem:$0xD0] =	vst v18  }
0x2f: {  	v23 =	vld [tilespmem:$0x140];
	v22 =	vshra.s32 v13, $0x3;
	[tilespmem:$0xE0] =	vst v20  }
0x30: {  	v25 =	vld [tilespmem:$0x150];
	v24 =	vshra.s32 v15, $0x3;
	[tilespmem:$0xF0] =	vst v22  }
0x31: {  	v27 =	vld [tilespmem:$0x160];
	v26 =	vshra.s32 v17, $0x3;
	[tilespmem:$0x100] =	vst v24  }
0x32: {  	v29 =	vld [tilespmem:$0x170];
	v28 =	vshra.s32 v19, $0x3;
	[tilespmem:$0x110] =	vst v26  }
0x33: {  	v31 =	vld [tilespmem:$0x180];
	v30 =	vshra.s32 v21, $0x3;
	[tilespmem:$0x120] =	vst v28  }
0x34: {  	v33 =	vld [tilespmem:$0x190];
	v32 =	vshra.s32 v23, $0x3;
	[tilespmem:$0x130] =	vst v30  }
0x35: {  	v35 =	vld [tilespmem:$0x1A0];
	v34 =	vshra.s32 v25, $0x3;
	[tilespmem:$0x140] =	vst v32  }
0x36: {  	v37 =	vld [tilespmem:$0x1B0];
	v36 =	vshra.s32 v27, $0x3;
	[tilespmem:$0x150] =	vst v34  }
0x37: {  	v39 =	vld [tilespmem:$0x1C0];
	v38 =	vshra.s32 v29, $0x3;
	[tilespmem:$0x160] =	vst v36  }
0x38: {  	v41 =	vld [tilespmem:$0x1D0];
	v40 =	vshra.s32 v31, $0x3;
	[tilespmem:$0x170] =	vst v38  }
0x39: {  	v43 =	vld [tilespmem:$0x1E0];
	v42 =	vshra.s32 v33, $0x3;
	[tilespmem:$0x180] =	vst v40  }
0x3a: {  	v45 =	vld [tilespmem:$0x1F0];
	v44 =	vshra.s32 v35, $0x3;
	[tilespmem:$0x190] =	vst v42  }
0x3b: {  	v46 =	vshra.s32 v37, $0x3;
	[tilespmem:$0x1A0] =	vst v44  }
0x3c: {  	v47 =	vshra.s32 v39, $0x3;
	[tilespmem:$0x1B0] =	vst v46  }
0x3d: {  	v48 =	vshra.s32 v41, $0x3;
	[tilespmem:$0x1C0] =	vst v47  }
0x3e: {  	v49 =	vshra.s32 v43, $0x3;
	[tilespmem:$0x1D0] =	vst v48  }
0x3f: {  	[tilespmem:$0x1E0] =	vst v49;
	v50 =	vshra.s32 v45, $0x3  }
0x40: {  	[tilespmem:$0x1F0] =	vst v50  }
0x41: {  	[tilespmem:s15], [sflag:$0x1] =	stream.indirect.gather [hbm4b:s1+s14], $0x80, s5, s14, $0xb8;
	[tilespmem:$0x10200] =	vst v63  }
0x42: {  	_ = 	snop  }
0x43: {  	[tilespmem:s16], [sflag:$0x1] =	stream.indirect.gather [hbm4b:s1+s14], $0x80, s14, s14, $0xb8;
	[tilespmem:$0x10200] =	vst v63  }
0x44: {  	_ = 	snop  }
0x45: {  	[tilespmem:s18], [sflag:$0x1] =	stream.indirect.gather [hbm4b:s1+s14], $0x80, s17, s14, $0xb8;
	[tilespmem:$0x10200] =	vst v63  }
0x46: {  	_ = 	snop  }
0x47: {  	[tilespmem:s20], [sflag:$0x1] =	stream.indirect.gather [hbm4b:s1+s14], $0x80, s19, s14, $0xb8;
	[tilespmem:$0x10200] =	vst v63  }
0x48: {  	_ = 	snop  }
0x49: {  	[tilespmem:s22], [sflag:$0x1] =	stream.indirect.gather [hbm4b:s1+s14], $0x80, s21, s14, $0xb8;
	[tilespmem:$0x10200] =	vst v63  }
0x4a: {  	_ = 	snop  }
0x4b: {  	[tilespmem:s24], [sflag:$0x1] =	stream.indirect.gather [hbm4b:s1+s14], $0x80, s23, s14, $0xb8;
	[tilespmem:$0x10200] =	vst v63  }
0x4c: {  	_ = 	snop  }
0x4d: {  	[tilespmem:s26], [sflag:$0x1] =	stream.indirect.gather [hbm4b:s1+s14], $0x80, s25, s14, $0xb8;
	[tilespmem:$0x10200] =	vst v63  }
0x4e: {  	_ = 	snop  }
0x4f: {  	[tilespmem:s29], [sflag:$0x1] =	stream.indirect.gather [hbm4b:s1+s14], $0x80, s28, s14, $0xb8;
	[tilespmem:$0x10200] =	vst v63  }
0x50: {  	_ =	swait.ge [sflag:s30], $0x2000  }
0x51: {  	[sflag:s30] =	ssyncset.done $0x0  }
0x52: {  	[sflag:s30] =	ssyncadd.s32 $0xFFFFE000  }
0x53: {  	_ =	swait.ge [sflag:s30], $0x2000  }
0x54: {  	[sflag:s30] =	ssyncset.done $0x0  }
0x55: {  	[sflag:s30] =	ssyncadd.s32 $0xFFFFE000  }
0x56: {  	_ =	swait.ge [sflag:s30], $0x2000  }
0x57: {  	[sflag:s30] =	ssyncset.done $0x0  }
0x58: {  	[sflag:s30] =	ssyncadd.s32 $0xFFFFE000  }
0x59: {  	_ =	swait.ge [sflag:s30], $0x2000  }
0x5a: {  	[sflag:s30] =	ssyncset.done $0x0  }
0x5b: {  	[sflag:s30] =	ssyncadd.s32 $0xFFFFE000  }
0x5c: {  	_ =	swait.ge [sflag:s30], $0x2000  }
0x5d: {  	[sflag:s30] =	ssyncset.done $0x0  }
0x5e: {  	[sflag:s30] =	ssyncadd.s32 $0xFFFFE000  }
0x5f: {  	_ =	swait.ge [sflag:s30], $0x2000  }
0x60: {  	[sflag:s30] =	ssyncset.done $0x0  }
0x61: {  	[sflag:s30] =	ssyncadd.s32 $0xFFFFE000  }
0x62: {  	_ =	swait.ge [sflag:s30], $0x2000  }
0x63: {  	[sflag:s30] =	ssyncset.done $0x0  }
0x64: {  	[sflag:s30] =	ssyncadd.s32 $0xFFFFE000  }
0x65: {  	_ =	swait.ge [sflag:s30], $0x2000  }
0x66: {  	[sflag:s30] =	ssyncset.done $0x0  }
0x67: {  	[sflag:s30] =	ssyncadd.s32 $0xFFFFE000  }
0x68: {  	[hbm4b:s7+s5] =	stream.linear.scatter [tilespmem:s15], [sflag:$0x2], $0x10000, $0x38;
	[tilespmem:$0x10200] =	vst v63  }
0x69: {  	_ =	swait.ge [sflag:s13], $0x10000  }
0x6a: {  	[sflag:s13] =	ssyncset.done $0x0  }
0x6b: {  	[sflag:s13] =	ssyncadd.s32 $0xFFFF0000  }
0x6c: {  	[tilespmem:s5], [sflag:$0x2] =	stream.linear.gather [hbm4b:s8+s5], $0x200, $0x38;
	[tilespmem:$0x10200] =	vst v63  }
0x6d: {  	_ =	swait.ge [sflag:s13], $0x200  }
0x6e: {  	[sflag:s13] =	ssyncset.done $0x0  }
0x6f: {  	[sflag:s13] =	ssyncadd.s32 $0xFFFFFE00  }
0x70: {  	v51 =	vld [tilespmem:$0x0]  }
0x71: {  	v52 =	vld [tilespmem:$0x10]  }
0x72: {  	v53 =	vld [tilespmem:$0x20]  }
0x73: {  	v54 =	vld [tilespmem:$0x30]  }
0x74: {  	v55 =	vld [tilespmem:$0x40]  }
0x75: {  	v56 =	vld [tilespmem:$0x50];
	v0 =	vshra.s32 v51, $0x3  }
0x76: {  	v58 =	vld [tilespmem:$0x60];
	v57 =	vshra.s32 v52, $0x3;
	[tilespmem:$0x0] =	vst v0  }
0x77: {  	v60 =	vld [tilespmem:$0x70];
	v59 =	vshra.s32 v53, $0x3;
	[tilespmem:$0x10] =	vst v57  }
0x78: {  	v62 =	vld [tilespmem:$0x80];
	v61 =	vshra.s32 v54, $0x3;
	[tilespmem:$0x20] =	vst v59  }
0x79: {  	v8 =	vld [tilespmem:$0x90];
	v63 =	vshra.s32 v55, $0x3;
	[tilespmem:$0x30] =	vst v61  }
0x7a: {  	v10 =	vld [tilespmem:$0xA0];
	v9 =	vshra.s32 v56, $0x3;
	[tilespmem:$0x40] =	vst v63  }
0x7b: {  	v12 =	vld [tilespmem:$0xB0];
	v11 =	vshra.s32 v58, $0x3;
	[tilespmem:$0x50] =	vst v9  }
0x7c: {  	v14 =	vld [tilespmem:$0xC0];
	v13 =	vshra.s32 v60, $0x3;
	[tilespmem:$0x60] =	vst v11  }
0x7d: {  	v16 =	vld [tilespmem:$0xD0];
	v15 =	vshra.s32 v62, $0x3;
	[tilespmem:$0x70] =	vst v13  }
0x7e: {  	v18 =	vld [tilespmem:$0xE0];
	v17 =	vshra.s32 v8, $0x3;
	[tilespmem:$0x80] =	vst v15  }
0x7f: {  	v20 =	vld [tilespmem:$0xF0];
	v19 =	vshra.s32 v10, $0x3;
	[tilespmem:$0x90] =	vst v17  }
0x80: {  	v22 =	vld [tilespmem:$0x100];
	v21 =	vshra.s32 v12, $0x3;
	[tilespmem:$0xA0] =	vst v19  }
0x81: {  	v24 =	vld [tilespmem:$0x110];
	v23 =	vshra.s32 v14, $0x3;
	[tilespmem:$0xB0] =	vst v21  }
0x82: {  	v26 =	vld [tilespmem:$0x120];
	v25 =	vshra.s32 v16, $0x3;
	[tilespmem:$0xC0] =	vst v23  }
0x83: {  	v28 =	vld [tilespmem:$0x130];
	v27 =	vshra.s32 v18, $0x3;
	[tilespmem:$0xD0] =	vst v25  }
0x84: {  	v30 =	vld [tilespmem:$0x140];
	v29 =	vshra.s32 v20, $0x3;
	[tilespmem:$0xE0] =	vst v27  }
0x85: {  	v32 =	vld [tilespmem:$0x150];
	v31 =	vshra.s32 v22, $0x3;
	[tilespmem:$0xF0] =	vst v29  }
0x86: {  	v34 =	vld [tilespmem:$0x160];
	v33 =	vshra.s32 v24, $0x3;
	[tilespmem:$0x100] =	vst v31  }
0x87: {  	v36 =	vld [tilespmem:$0x170];
	v35 =	vshra.s32 v26, $0x3;
	[tilespmem:$0x110] =	vst v33  }
0x88: {  	v38 =	vld [tilespmem:$0x180];
	v37 =	vshra.s32 v28, $0x3;
	[tilespmem:$0x120] =	vst v35  }
0x89: {  	v40 =	vld [tilespmem:$0x190];
	v39 =	vshra.s32 v30, $0x3;
	[tilespmem:$0x130] =	vst v37  }
0x8a: {  	v42 =	vld [tilespmem:$0x1A0];
	v41 =	vshra.s32 v32, $0x3;
	[tilespmem:$0x140] =	vst v39  }
0x8b: {  	v44 =	vld [tilespmem:$0x1B0];
	v43 =	vshra.s32 v34, $0x3;
	[tilespmem:$0x150] =	vst v41  }
0x8c: {  	v46 =	vld [tilespmem:$0x1C0];
	v45 =	vshra.s32 v36, $0x3;
	[tilespmem:$0x160] =	vst v43  }
0x8d: {  	v48 =	vld [tilespmem:$0x1D0];
	v47 =	vshra.s32 v38, $0x3;
	[tilespmem:$0x170] =	vst v45  }
0x8e: {  	v50 =	vld [tilespmem:$0x1E0];
	v49 =	vshra.s32 v40, $0x3;
	[tilespmem:$0x180] =	vst v47  }
0x8f: {  	v51 =	vshra.s32 v42, $0x3;
	v52 =	vld [tilespmem:$0x1F0];
	[tilespmem:$0x190] =	vst v49  }
0x90: {  	v53 =	vshra.s32 v44, $0x3;
	[tilespmem:$0x1A0] =	vst v51  }
0x91: {  	v54 =	vshra.s32 v46, $0x3;
	[tilespmem:$0x1B0] =	vst v53  }
0x92: {  	v55 =	vshra.s32 v48, $0x3;
	[tilespmem:$0x1C0] =	vst v54  }
0x93: {  	v56 =	vshra.s32 v50, $0x3;
	[tilespmem:$0x1D0] =	vst v55  }
0x94: {  	[tilespmem:$0x1E0] =	vst v56;
	v57 =	vshra.s32 v52, $0x3  }
0x95: {  	[tilespmem:$0x1F0] =	vst v57  }
0x96: {  	[tilespmem:s15], [sflag:$0x1] =	stream.indirect.gather [hbm4b:s2+s14], $0x80, s5, s14, $0xb8;
	[tilespmem:$0x10200] =	vst v63  }
0x97: {  	_ = 	snop  }
0x98: {  	[tilespmem:s16], [sflag:$0x1] =	stream.indirect.gather [hbm4b:s2+s14], $0x80, s14, s14, $0xb8;
	[tilespmem:$0x10200] =	vst v63  }
0x99: {  	_ = 	snop  }
0x9a: {  	[tilespmem:s18], [sflag:$0x1] =	stream.indirect.gather [hbm4b:s2+s14], $0x80, s17, s14, $0xb8;
	[tilespmem:$0x10200] =	vst v63  }
0x9b: {  	_ = 	snop  }
0x9c: {  	[tilespmem:s20], [sflag:$0x1] =	stream.indirect.gather [hbm4b:s2+s14], $0x80, s19, s14, $0xb8;
	[tilespmem:$0x10200] =	vst v63  }
0x9d: {  	_ = 	snop  }
0x9e: {  	[tilespmem:s22], [sflag:$0x1] =	stream.indirect.gather [hbm4b:s2+s14], $0x80, s21, s14, $0xb8;
	[tilespmem:$0x10200] =	vst v63  }
0x9f: {  	_ = 	snop  }
0xa0: {  	[tilespmem:s24], [sflag:$0x1] =	stream.indirect.gather [hbm4b:s2+s14], $0x80, s23, s14, $0xb8;
	[tilespmem:$0x10200] =	vst v63  }
0xa1: {  	_ = 	snop  }
0xa2: {  	[tilespmem:s26], [sflag:$0x1] =	stream.indirect.gather [hbm4b:s2+s14], $0x80, s25, s14, $0xb8;
	[tilespmem:$0x10200] =	vst v63  }
0xa3: {  	_ = 	snop  }
0xa4: {  	[tilespmem:s29], [sflag:$0x1] =	stream.indirect.gather [hbm4b:s2+s14], $0x80, s28, s14, $0xb8;
	[tilespmem:$0x10200] =	vst v63  }
0xa5: {  	_ =	swait.ge [sflag:s30], $0x2000  }
0xa6: {  	[sflag:s30] =	ssyncset.done $0x0  }
0xa7: {  	[sflag:s30] =	ssyncadd.s32 $0xFFFFE000  }
0xa8: {  	_ =	swait.ge [sflag:s30], $0x2000  }
0xa9: {  	[sflag:s30] =	ssyncset.done $0x0  }
0xaa: {  	[sflag:s30] =	ssyncadd.s32 $0xFFFFE000  }
0xab: {  	_ =	swait.ge [sflag:s30], $0x2000  }
0xac: {  	[sflag:s30] =	ssyncset.done $0x0  }
0xad: {  	[sflag:s30] =	ssyncadd.s32 $0xFFFFE000  }
0xae: {  	_ =	swait.ge [sflag:s30], $0x2000  }
0xaf: {  	[sflag:s30] =	ssyncset.done $0x0  }
0xb0: {  	[sflag:s30] =	ssyncadd.s32 $0xFFFFE000  }
0xb1: {  	_ =	swait.ge [sflag:s30], $0x2000  }
0xb2: {  	[sflag:s30] =	ssyncset.done $0x0  }
0xb3: {  	[sflag:s30] =	ssyncadd.s32 $0xFFFFE000  }
0xb4: {  	_ =	swait.ge [sflag:s30], $0x2000  }
0xb5: {  	[sflag:s30] =	ssyncset.done $0x0  }
0xb6: {  	[sflag:s30] =	ssyncadd.s32 $0xFFFFE000  }
0xb7: {  	_ =	swait.ge [sflag:s30], $0x2000  }
0xb8: {  	[sflag:s30] =	ssyncset.done $0x0  }
0xb9: {  	[sflag:s30] =	ssyncadd.s32 $0xFFFFE000  }
0xba: {  	_ =	swait.ge [sflag:s30], $0x2000  }
0xbb: {  	[sflag:s30] =	ssyncset.done $0x0  }
0xbc: {  	[sflag:s30] =	ssyncadd.s32 $0xFFFFE000  }
0xbd: {  	[hbm4b:s9+s5] =	stream.linear.scatter [tilespmem:s15], [sflag:$0x2], $0x10000, $0x38;
	[tilespmem:$0x10200] =	vst v63  }
0xbe: {  	_ =	swait.ge [sflag:s13], $0x10000  }
0xbf: {  	[sflag:s13] =	ssyncset.done $0x0  }
0xc0: {  	[sflag:s13] =	ssyncadd.s32 $0xFFFF0000  }
0xc1: {  	[tilespmem:s5], [sflag:$0x2] =	stream.linear.gather [hbm4b:s10+s5], $0x200, $0x38;
	[tilespmem:$0x10200] =	vst v63  }
0xc2: {  	_ =	swait.ge [sflag:s13], $0x200  }
0xc3: {  	[sflag:s13] =	ssyncset.done $0x0  }
0xc4: {  	[sflag:s13] =	ssyncadd.s32 $0xFFFFFE00  }
0xc5: {  	v58 =	vld [tilespmem:$0x0]  }
0xc6: {  	v59 =	vld [tilespmem:$0x10]  }
0xc7: {  	v60 =	vld [tilespmem:$0x20]  }
0xc8: {  	v61 =	vld [tilespmem:$0x30]  }
0xc9: {  	v62 =	vld [tilespmem:$0x40]  }
0xca: {  	v63 =	vld [tilespmem:$0x50];
	v0 =	vshra.s32 v58, $0x3  }
0xcb: {  	v8 =	vld [tilespmem:$0x60];
	v7 =	vshra.s32 v59, $0x3;
	[tilespmem:$0x0] =	vst v0  }
0xcc: {  	v10 =	vld [tilespmem:$0x70];
	v9 =	vshra.s32 v60, $0x3;
	[tilespmem:$0x10] =	vst v7  }
0xcd: {  	v12 =	vld [tilespmem:$0x80];
	v11 =	vshra.s32 v61, $0x3;
	[tilespmem:$0x20] =	vst v9  }
0xce: {  	v14 =	vld [tilespmem:$0x90];
	v13 =	vshra.s32 v62, $0x3;
	[tilespmem:$0x30] =	vst v11  }
0xcf: {  	v16 =	vld [tilespmem:$0xA0];
	v15 =	vshra.s32 v63, $0x3;
	[tilespmem:$0x40] =	vst v13  }
0xd0: {  	v18 =	vld [tilespmem:$0xB0];
	v17 =	vshra.s32 v8, $0x3;
	[tilespmem:$0x50] =	vst v15  }
0xd1: {  	v20 =	vld [tilespmem:$0xC0];
	v19 =	vshra.s32 v10, $0x3;
	[tilespmem:$0x60] =	vst v17  }
0xd2: {  	v22 =	vld [tilespmem:$0xD0];
	v21 =	vshra.s32 v12, $0x3;
	[tilespmem:$0x70] =	vst v19  }
0xd3: {  	v24 =	vld [tilespmem:$0xE0];
	v23 =	vshra.s32 v14, $0x3;
	[tilespmem:$0x80] =	vst v21  }
0xd4: {  	v26 =	vld [tilespmem:$0xF0];
	v25 =	vshra.s32 v16, $0x3;
	[tilespmem:$0x90] =	vst v23  }
0xd5: {  	v28 =	vld [tilespmem:$0x100];
	v27 =	vshra.s32 v18, $0x3;
	[tilespmem:$0xA0] =	vst v25  }
0xd6: {  	v30 =	vld [tilespmem:$0x110];
	v29 =	vshra.s32 v20, $0x3;
	[tilespmem:$0xB0] =	vst v27  }
0xd7: {  	v32 =	vld [tilespmem:$0x120];
	v31 =	vshra.s32 v22, $0x3;
	[tilespmem:$0xC0] =	vst v29  }
0xd8: {  	v34 =	vld [tilespmem:$0x130];
	v33 =	vshra.s32 v24, $0x3;
	[tilespmem:$0xD0] =	vst v31  }
0xd9: {  	v36 =	vld [tilespmem:$0x140];
	v35 =	vshra.s32 v26, $0x3;
	[tilespmem:$0xE0] =	vst v33  }
0xda: {  	v38 =	vld [tilespmem:$0x150];
	v37 =	vshra.s32 v28, $0x3;
	[tilespmem:$0xF0] =	vst v35  }
0xdb: {  	v40 =	vld [tilespmem:$0x160];
	v39 =	vshra.s32 v30, $0x3;
	[tilespmem:$0x100] =	vst v37  }
0xdc: {  	v42 =	vld [tilespmem:$0x170];
	v41 =	vshra.s32 v32, $0x3;
	[tilespmem:$0x110] =	vst v39  }
0xdd: {  	v44 =	vld [tilespmem:$0x180];
	v43 =	vshra.s32 v34, $0x3;
	[tilespmem:$0x120] =	vst v41  }
0xde: {  	v46 =	vld [tilespmem:$0x190];
	v45 =	vshra.s32 v36, $0x3;
	[tilespmem:$0x130] =	vst v43  }
0xdf: {  	v48 =	vld [tilespmem:$0x1A0];
	v47 =	vshra.s32 v38, $0x3;
	[tilespmem:$0x140] =	vst v45  }
0xe0: {  	v50 =	vld [tilespmem:$0x1B0];
	v49 =	vshra.s32 v40, $0x3;
	[tilespmem:$0x150] =	vst v47  }
0xe1: {  	v52 =	vld [tilespmem:$0x1C0];
	v51 =	vshra.s32 v42, $0x3;
	[tilespmem:$0x160] =	vst v49  }
0xe2: {  	v54 =	vld [tilespmem:$0x1D0];
	v53 =	vshra.s32 v44, $0x3;
	[tilespmem:$0x170] =	vst v51  }
0xe3: {  	v56 =	vld [tilespmem:$0x1E0];
	v55 =	vshra.s32 v46, $0x3;
	[tilespmem:$0x180] =	vst v53  }
0xe4: {  	v57 =	vshra.s32 v48, $0x3;
	v58 =	vld [tilespmem:$0x1F0];
	[tilespmem:$0x190] =	vst v55  }
0xe5: {  	v59 =	vshra.s32 v50, $0x3;
	[tilespmem:$0x1A0] =	vst v57  }
0xe6: {  	v60 =	vshra.s32 v52, $0x3;
	[tilespmem:$0x1B0] =	vst v59  }
0xe7: {  	v61 =	vshra.s32 v54, $0x3;
	[tilespmem:$0x1C0] =	vst v60  }
0xe8: {  	v62 =	vshra.s32 v56, $0x3;
	[tilespmem:$0x1D0] =	vst v61  }
0xe9: {  	[tilespmem:$0x1E0] =	vst v62;
	v63 =	vshra.s32 v58, $0x3  }
0xea: {  	[tilespmem:$0x1F0] =	vst v63  }
0xeb: {  	[tilespmem:s15], [sflag:$0x1] =	stream.indirect.gather [hbm4b:s3+s14], $0x80, s5, s14, $0xb8;
	[tilespmem:$0x10200] =	vst v63  }
0xec: {  	_ = 	snop  }
0xed: {  	[tilespmem:s16], [sflag:$0x1] =	stream.indirect.gather [hbm4b:s3+s14], $0x80, s14, s14, $0xb8;
	[tilespmem:$0x10200] =	vst v63  }
0xee: {  	_ = 	snop  }
0xef: {  	[tilespmem:s18], [sflag:$0x1] =	stream.indirect.gather [hbm4b:s3+s14], $0x80, s17, s14, $0xb8;
	[tilespmem:$0x10200] =	vst v63  }
0xf0: {  	_ = 	snop  }
0xf1: {  	[tilespmem:s20], [sflag:$0x1] =	stream.indirect.gather [hbm4b:s3+s14], $0x80, s19, s14, $0xb8;
	[tilespmem:$0x10200] =	vst v63  }
0xf2: {  	_ = 	snop  }
0xf3: {  	[tilespmem:s22], [sflag:$0x1] =	stream.indirect.gather [hbm4b:s3+s14], $0x80, s21, s14, $0xb8;
	[tilespmem:$0x10200] =	vst v63  }
0xf4: {  	_ = 	snop  }
0xf5: {  	[tilespmem:s24], [sflag:$0x1] =	stream.indirect.gather [hbm4b:s3+s14], $0x80, s23, s14, $0xb8;
	[tilespmem:$0x10200] =	vst v63  }
0xf6: {  	_ = 	snop  }
0xf7: {  	[tilespmem:s26], [sflag:$0x1] =	stream.indirect.gather [hbm4b:s3+s14], $0x80, s25, s14, $0xb8;
	[tilespmem:$0x10200] =	vst v63  }
0xf8: {  	_ = 	snop  }
0xf9: {  	[tilespmem:s29], [sflag:$0x1] =	stream.indirect.gather [hbm4b:s3+s14], $0x80, s28, s14, $0xb8;
	[tilespmem:$0x10200] =	vst v63  }
0xfa: {  	_ =	swait.ge [sflag:s30], $0x2000  }
0xfb: {  	[sflag:s30] =	ssyncset.done $0x0  }
0xfc: {  	[sflag:s30] =	ssyncadd.s32 $0xFFFFE000  }
0xfd: {  	_ =	swait.ge [sflag:s30], $0x2000  }
0xfe: {  	[sflag:s30] =	ssyncset.done $0x0  }
0xff: {  	[sflag:s30] =	ssyncadd.s32 $0xFFFFE000  }
0x100: {  	_ =	swait.ge [sflag:s30], $0x2000  }
0x101: {  	[sflag:s30] =	ssyncset.done $0x0  }
0x102: {  	[sflag:s30] =	ssyncadd.s32 $0xFFFFE000  }
0x103: {  	_ =	swait.ge [sflag:s30], $0x2000  }
0x104: {  	[sflag:s30] =	ssyncset.done $0x0  }
0x105: {  	[sflag:s30] =	ssyncadd.s32 $0xFFFFE000  }
0x106: {  	_ =	swait.ge [sflag:s30], $0x2000  }
0x107: {  	[sflag:s30] =	ssyncset.done $0x0  }
0x108: {  	[sflag:s30] =	ssyncadd.s32 $0xFFFFE000  }
0x109: {  	_ =	swait.ge [sflag:s30], $0x2000  }
0x10a: {  	[sflag:s30] =	ssyncset.done $0x0  }
0x10b: {  	[sflag:s30] =	ssyncadd.s32 $0xFFFFE000  }
0x10c: {  	_ =	swait.ge [sflag:s30], $0x2000  }
0x10d: {  	[sflag:s30] =	ssyncset.done $0x0  }
0x10e: {  	[sflag:s30] =	ssyncadd.s32 $0xFFFFE000  }
0x10f: {  	_ =	swait.ge [sflag:s30], $0x2000  }
0x110: {  	p0 =	sne.s32 s12, $0x1;
	[sflag:s30] =	ssyncset.done $0x0  }
.Ltmp0:
0x111: {  	[sflag:s30] =	ssyncadd.s32 $0xFFFFE000;
	(pc) =	sbr.rel @p0 .LBB2_1-.Ltmp0, $4  }
0x112: {  	[hbm4b:s11+s5] =	stream.linear.scatter [tilespmem:s15], [sflag:$0x2], $0x10000, $0x38;
	[tilespmem:$0x10200] =	vst v63  }
0x113: {  	_ =	swait.ge [sflag:s13], $0x10000  }
0x114: {  	[sflag:s13] =	ssyncset.done $0x0  }
0x115: {  	s12 =	sadd.s32 $0xFFFFFFFF, s12;
	[sflag:s13] =	ssyncadd.s32 $0xFFFF0000  }
0x116: {  	_ =	sfence.sel $0x180000  }
0x117: {  	[bflag:$0x0] =	sbarrier.arrive $0xFFFF  }
0x118: {  	p0 =	sne.s32 s4, $0x0;
	_ =	strace $0x90000047  }
0x119: {  	s0 =	sadd.s32 @!p0 $0x100000, s0;
	[bflag:$0x2] =	sbarrier.arrive $0xFFFF  }
0x11a: {  	[sflag:s0] =	ssyncadd.tile.s32 @!p0 $0x1;
	_ =	shalt  }
.Lfunc_end2:
_tile_overlayer_lowered:
.L_overlay_start_2:
0x11b: {  	(tag) =	ssettag $0x2  }
0x11c: {  	s0 =	rddreg [dreg:$0x0];
	s2 =	stileid.u32  }
0x11d: {  	s1 =	rddreg [dreg:$0x1];
	p0 =	sne.s32 s2, $0x0  }
0x11e: {  	s3 =	rddreg [dreg:$0x2];
	[bflag:$0x3] =	sbarrier.arrive $0xFFFF;
	s2 =	simm.s32 @!p0 $0x1C02  }
0x11f: {  	[timem:s3], [sflag:s2] =	dma.local @!p0 [hbm:s0], s1  }
0x120: {  	s0 =	simm.s32 @!p0 $0x2  }
0x121: {  	_ =	swait.ge @!p0 [sflag:s0], s1  }
0x122: {  	s1 =	ssub.s32 @!p0 $0x0, s1;
	[sflag:s0] =	ssyncset.done @!p0 $0x0  }
0x123: {  	[sflag:s0] =	ssyncadd.s32 @!p0 s1  }
0x124: {  	[bflag:$0x3] =	sbarrier.arrive $0xFFFF  }
0x125: {  	_ =	shalt  }

</sc_bundles>
